<compile_context>
chip_gen: v7x
topology: tpu7x:2x2x1
jax: 0.10.2.dev20260603
libtpu: 0.0.44.dev20260713+nightly
codegen_flags: <defaults>
</compile_context>

<pallas_src>
import functools

import jax
import jax.numpy as jnp
from jax import lax
from jax.experimental import pallas as pl
from jax.experimental.pallas import tpu as pltpu
from jax.experimental.pallas import tpu_sc as plsc

_D = 256
_B = 16 * 1024
_CHUNK = 128

_info = plsc.get_sparse_core_info()
_NC, _NS = _info.num_cores, _info.num_subcores
_NW = _NC * _NS
_BPW = _B // _NW
_NCHUNK = _BPW // _CHUNK

_mesh = plsc.VectorSubcoreMesh(core_axis_name="c", subcore_axis_name="s")


_NBUF = 3


_ROWS, _COLS = 16, 1024
_WPR = _COLS // _BPW


@functools.partial(
    pl.kernel,
    mesh=_mesh,
    out_type=jax.ShapeDtypeStruct((_ROWS, _COLS, _D), jnp.float32),
    scratch_types=[
        pltpu.VMEM((_BPW,), jnp.int32),
        pltpu.VMEM((_NBUF * _CHUNK, _D), jnp.float32),
        pltpu.SemaphoreType.DMA,
        pltpu.SemaphoreType.DMA,
    ],
)
def _gather_sc(table_hbm, idx_hbm, out_hbm, idx_v, rows_v, gsem, osem):
    wid = lax.axis_index("s") * _NC + lax.axis_index("c")
    r = wid // _WPR
    c0 = (wid % _WPR) * _BPW
    half = _BPW // 2
    pltpu.sync_copy(idx_hbm.at[r, pl.ds(c0, half)], idx_v.at[pl.ds(0, half)])

    def gather(j, buf):
        return pltpu.async_copy(
            table_hbm.at[idx_v.at[pl.ds(j * _CHUNK, _CHUNK)]],
            rows_v.at[pl.ds(buf * _CHUNK, _CHUNK)], gsem)

    g0 = gather(0, 0)
    g1 = gather(1, 1)
    pltpu.sync_copy(idx_hbm.at[r, pl.ds(c0 + half, half)],
                    idx_v.at[pl.ds(half, half)])
    g2 = gather(2, 2)
    g0.wait()
    g1.wait()
    o01 = pltpu.async_copy(
        rows_v.at[pl.ds(0, 2 * _CHUNK)],
        out_hbm.at[r, pl.ds(c0, 2 * _CHUNK)], osem)
    o01.wait()
    g3 = gather(3, 0)
    g2.wait()
    o2 = pltpu.async_copy(
        rows_v.at[pl.ds(2 * _CHUNK, _CHUNK)],
        out_hbm.at[r, pl.ds(c0 + 2 * _CHUNK, _CHUNK)], osem)
    g3.wait()
    o3 = pltpu.async_copy(
        rows_v.at[pl.ds(0, _CHUNK)],
        out_hbm.at[r, pl.ds(c0 + 3 * _CHUNK, _CHUNK)], osem)
    o2.wait()
    o3.wait()


_V = 8192
_TCOLS = 4096


def _tr_body(w_ref, t_ref):
    t_ref[...] = w_ref[...].T


_transpose_tc = pl.pallas_call(
    _tr_body,
    grid=(_V // _TCOLS,),
    in_specs=[pl.BlockSpec((_D, _TCOLS), lambda i: (0, i))],
    out_specs=pl.BlockSpec((_TCOLS, _D), lambda i: (i, 0)),
    out_shape=jax.ShapeDtypeStruct((_V, _D), jnp.float32),
)


def kernel(embed_id, weight):
    table = _transpose_tc(weight)
    return _gather_sc(table, embed_id)

# --- scband reference (transcript-rebuilt; emitter-appended) ---
"""Pipeline reference for scband-embedding-ema-13984413516273 (READ-ONLY COPY).

The authoritative reference and input builder live on the scoring server;
editing this copy changes nothing except your own understanding.
"""

import jax, jax.numpy as jnp
import numpy as np

NUM_TOKENS = 8192
CODEBOOK_DIM = 256

def setup_inputs(seed: int = 0) -> dict:
    key = jax.random.key(seed)
    k_idx, k_w = jax.random.split(key)
    embed_id = jax.random.randint(k_idx, (16, 1024), 0, NUM_TOKENS, dtype=jnp.int64 if jax.config.read('jax_enable_x64') else jnp.int32)
    # weight buffer is stored as (codebook_dim, num_tokens), matching the torch module
    weight = jax.random.normal(k_w, (CODEBOOK_DIM, NUM_TOKENS), dtype=jnp.float32)
    return {"embed_id": embed_id, "weight": weight}

def reference(embed_id, weight):
    # F.embedding(embed_id, weight.transpose(0, 1)) -> gather rows of weight.T
    table = weight.T  # (num_tokens, codebook_dim)
    return jnp.take(table, embed_id, axis=0)  # (16, 1024, codebook_dim)

if __name__ == "__main__":
    import jax
    _d = setup_inputs()
    print(jax.jit(kernel)(*tuple(_d.values())))

</pallas_src>

<mosaic_0001>
#map = affine_map<(d0, d1) -> (0, 0)>
#map1 = affine_map<(d0, d1) -> (0, 0, 0)>
module attributes {stable_mosaic.version = 14 : i64} {
  func.func @_gather_sc(%arg0: i32, %arg1: i32, %arg2: memref<8192x256xf32, #tpu.memory_space<hbm>>, %arg3: memref<16x1024xi32, #tpu.memory_space<hbm>>, %arg4: memref<16x1024x256xf32, #tpu.memory_space<hbm>>, %arg5: memref<512xi32, #tpu.memory_space<vmem>>, %arg6: memref<384x256xf32, #tpu.memory_space<vmem>>, %arg7: memref<!tpu.dma_semaphore, #tpu.memory_space<semaphore_mem>>, %arg8: memref<!tpu.dma_semaphore, #tpu.memory_space<semaphore_mem>>) attributes {dimension_semantics = [#tpu.dimension_semantics<core_parallel>, #tpu.dimension_semantics<subcore_parallel>], iteration_bounds = array<i64: 2, 16>, scalar_prefetch = 0 : i64, scratch_operands = 4 : i64, tpu.core_type = #tpu.core_type<sc_vector_subcore>, window_params = [{transform_indices = #map}, {transform_indices = #map}, {transform_indices = #map1}]} {
    %mul3A = arith.constant 2 : i32
    %mul3A_0 = arith.muli %arg1, %mul3A : i32
    %add3A = arith.addi %mul3A_0, %arg0 : i32
    %jit3A = arith.constant 2 : i32
    %div3A = arith.divsi %add3A, %jit3A : i32
    %sign3A = arith.constant 0 : i32
    %sign3A_1 = arith.cmpi sgt, %add3A, %sign3A : i32
    %sign3A_2 = arith.extui %sign3A_1 : i1 to i32
    %sign3A_3 = arith.constant 0 : i32
    %sign3A_4 = arith.cmpi slt, %add3A, %sign3A_3 : i32
    %sign3A_5 = arith.extui %sign3A_4 : i1 to i32
    %sign3A_6 = arith.subi %sign3A_2, %sign3A_5 : i32
    %sign3A_7 = arith.constant 0 : i32
    %sign3A_8 = arith.cmpi sgt, %jit3A, %sign3A_7 : i32
    %sign3A_9 = arith.extui %sign3A_8 : i1 to i32
    %sign3A_10 = arith.constant 0 : i32
    %sign3A_11 = arith.cmpi slt, %jit3A, %sign3A_10 : i32
    %sign3A_12 = arith.extui %sign3A_11 : i1 to i32
    %sign3A_13 = arith.subi %sign3A_9, %sign3A_12 : i32
    %ne3A = arith.cmpi ne, %sign3A_6, %sign3A_13 : i32
    %rem3A = arith.remsi %add3A, %jit3A : i32
    %ne3A_14 = arith.constant 0 : i32
    %ne3A_15 = arith.cmpi ne, %rem3A, %ne3A_14 : i32
    %and3A = arith.andi %ne3A, %ne3A_15 : i1
    %sub3A = arith.constant 1 : i32
    %sub3A_16 = arith.subi %div3A, %sub3A : i32
    %select_n3A = arith.select %and3A, %sub3A_16, %div3A : i32
    %jit3A_17 = arith.constant 2 : i32
    %eq3A = arith.constant 0 : i32
    %eq3A_18 = arith.cmpi eq, %jit3A_17, %eq3A : i32
    %jit3A_19 = arith.constant 1 : i32
    %select_n3A_20 = arith.select %eq3A_18, %jit3A_19, %jit3A_17 : i32
    %rem3A_21 = arith.remsi %add3A, %select_n3A_20 : i32
    %ne3A_22 = arith.constant 0 : i32
    %ne3A_23 = arith.cmpi ne, %rem3A_21, %ne3A_22 : i32
    %lt3A = arith.constant 0 : i32
    %lt3A_24 = arith.cmpi slt, %rem3A_21, %lt3A : i32
    %lt3A_25 = arith.constant 0 : i32
    %lt3A_26 = arith.cmpi slt, %select_n3A_20, %lt3A_25 : i32
    %ne3A_27 = arith.xori %lt3A_24, %lt3A_26 : i1
    %and3A_28 = arith.andi %ne3A_27, %ne3A_23 : i1
    %add3A_29 = arith.addi %rem3A_21, %select_n3A_20 : i32
    %select_n3A_30 = arith.select %and3A_28, %add3A_29, %rem3A_21 : i32
    %mul3A_31 = arith.constant 512 : i32
    %mul3A_32 = arith.muli %select_n3A_30, %mul3A_31 : i32
    "tpu.region"() ({
      %run_scoped3A = tpu.sem_alloc : memref<!tpu.dma_semaphore, #tpu.memory_space<semaphore_mem>>
      %dma_start3A_173 = arith.constant 0 : i32
      %dma_start3A_174 = tpu.memref_slice %arg5[%dma_start3A_173] : memref<512xi32, #tpu.memory_space<vmem>> -> memref<256xi32, #tpu.memory_space<vmem>>
      %dma_start3A_175 = tpu.memref_slice %arg3[%select_n3A, %mul3A_32] : memref<16x1024xi32, #tpu.memory_space<hbm>> -> memref<1x256xi32, #tpu.memory_space<hbm>>
      %dma_start3A_176 = tpu.memref_squeeze %dma_start3A_175 : memref<1x256xi32, #tpu.memory_space<hbm>> -> memref<256xi32, #tpu.memory_space<hbm>>
      %dma_start3A_177 = arith.constant 0 : i32
      %dma_start3A_178 = tpu.memref_slice %arg5[%dma_start3A_177] : memref<512xi32, #tpu.memory_space<vmem>> -> memref<256xi32, #tpu.memory_space<vmem>>
      %dma_start3A_179 = tpu.memref_slice %arg3[%select_n3A, %mul3A_32] : memref<16x1024xi32, #tpu.memory_space<hbm>> -> memref<1x256xi32, #tpu.memory_space<hbm>>
      %dma_start3A_180 = tpu.memref_squeeze %dma_start3A_179 : memref<1x256xi32, #tpu.memory_space<hbm>> -> memref<256xi32, #tpu.memory_space<hbm>>
      tpu.enqueue_dma source(%dma_start3A_180 : memref<256xi32, #tpu.memory_space<hbm>>) target(%dma_start3A_178 : memref<256xi32, #tpu.memory_space<vmem>>) target_semaphore(%run_scoped3A : memref<!tpu.dma_semaphore, #tpu.memory_space<semaphore_mem>>)
      %dma_wait3A_181 = arith.constant 0 : i32
      %dma_wait3A_182 = tpu.memref_slice %arg5[%dma_wait3A_181] : memref<512xi32, #tpu.memory_space<vmem>> -> memref<256xi32, #tpu.memory_space<vmem>>
      %dma_wait3A_183 = tpu.memref_slice %arg3[%select_n3A, %mul3A_32] : memref<16x1024xi32, #tpu.memory_space<hbm>> -> memref<1x256xi32, #tpu.memory_space<hbm>>
      %dma_wait3A_184 = tpu.memref_squeeze %dma_wait3A_183 : memref<1x256xi32, #tpu.memory_space<hbm>> -> memref<256xi32, #tpu.memory_space<hbm>>
      %dma_wait3A_185 = arith.constant 0 : i32
      %dma_wait3A_186 = tpu.memref_slice %arg5[%dma_wait3A_185] : memref<512xi32, #tpu.memory_space<vmem>> -> memref<256xi32, #tpu.memory_space<vmem>>
      %dma_wait3A_187 = tpu.memref_slice %arg3[%select_n3A, %mul3A_32] : memref<16x1024xi32, #tpu.memory_space<hbm>> -> memref<1x256xi32, #tpu.memory_space<hbm>>
      %dma_wait3A_188 = tpu.memref_squeeze %dma_wait3A_187 : memref<1x256xi32, #tpu.memory_space<hbm>> -> memref<256xi32, #tpu.memory_space<hbm>>
      tpu.wait_dma2 semaphore(%run_scoped3A : memref<!tpu.dma_semaphore, #tpu.memory_space<semaphore_mem>>) src(%dma_wait3A_188 : memref<256xi32, #tpu.memory_space<hbm>>) dst(%dma_wait3A_186 : memref<256xi32, #tpu.memory_space<vmem>>)
      tpu.yield
    }) : () -> ()
    %dma_start3A = arith.constant 0 : i32
    %dma_start3A_33 = arith.constant 0 : i32
    %dma_start3A_34 = tpu.memref_slice %arg6[%dma_start3A, %dma_start3A_33] : memref<384x256xf32, #tpu.memory_space<vmem>> -> memref<128x256xf32, #tpu.memory_space<vmem>>
    %dma_start3A_35 = arith.constant 0 : i32
    %dma_start3A_36 = tpu.memref_slice %arg5[%dma_start3A_35] : memref<512xi32, #tpu.memory_space<vmem>> -> memref<128xi32, #tpu.memory_space<vmem>>
    %dma_start3A_37 = arith.constant 0 : i32
    %dma_start3A_38 = arith.constant 0 : i32
    %dma_start3A_39 = tpu.memref_slice %arg2[%dma_start3A_37, %dma_start3A_38] : memref<8192x256xf32, #tpu.memory_space<hbm>> -> memref<8192x256xf32, #tpu.memory_space<hbm>>
    tpu.enqueue_indirect_dma source(%dma_start3A_39 : memref<8192x256xf32, #tpu.memory_space<hbm>>) target(%dma_start3A_34 : memref<128x256xf32, #tpu.memory_space<vmem>>) offsets(%dma_start3A_36 : memref<128xi32, #tpu.memory_space<vmem>>) semaphore(%arg7 : memref<!tpu.dma_semaphore, #tpu.memory_space<semaphore_mem>>)
    %dma_start3A_40 = arith.constant 128 : i32
    %dma_start3A_41 = arith.constant 0 : i32
    %dma_start3A_42 = tpu.memref_slice %arg6[%dma_start3A_40, %dma_start3A_41] : memref<384x256xf32, #tpu.memory_space<vmem>> -> memref<128x256xf32, #tpu.memory_space<vmem>>
    %dma_start3A_43 = arith.constant 128 : i32
    %dma_start3A_44 = tpu.memref_slice %arg5[%dma_start3A_43] : memref<512xi32, #tpu.memory_space<vmem>> -> memref<128xi32, #tpu.memory_space<vmem>>
    %dma_start3A_45 = arith.constant 0 : i32
    %dma_start3A_46 = arith.constant 0 : i32
    %dma_start3A_47 = tpu.memref_slice %arg2[%dma_start3A_45, %dma_start3A_46] : memref<8192x256xf32, #tpu.memory_space<hbm>> -> memref<8192x256xf32, #tpu.memory_space<hbm>>
    tpu.enqueue_indirect_dma source(%dma_start3A_47 : memref<8192x256xf32, #tpu.memory_space<hbm>>) target(%dma_start3A_42 : memref<128x256xf32, #tpu.memory_space<vmem>>) offsets(%dma_start3A_44 : memref<128xi32, #tpu.memory_space<vmem>>) semaphore(%arg7 : memref<!tpu.dma_semaphore, #tpu.memory_space<semaphore_mem>>)
    %add3A_48 = arith.constant 256 : i32
    %add3A_49 = arith.addi %mul3A_32, %add3A_48 : i32
    "tpu.region"() ({
      %run_scoped3A = tpu.sem_alloc : memref<!tpu.dma_semaphore, #tpu.memory_space<semaphore_mem>>
      %dma_start3A_173 = arith.constant 256 : i32
      %dma_start3A_174 = tpu.memref_slice %arg5[%dma_start3A_173] : memref<512xi32, #tpu.memory_space<vmem>> -> memref<256xi32, #tpu.memory_space<vmem>>
      %dma_start3A_175 = tpu.memref_slice %arg3[%select_n3A, %add3A_49] : memref<16x1024xi32, #tpu.memory_space<hbm>> -> memref<1x256xi32, #tpu.memory_space<hbm>>
      %dma_start3A_176 = tpu.memref_squeeze %dma_start3A_175 : memref<1x256xi32, #tpu.memory_space<hbm>> -> memref<256xi32, #tpu.memory_space<hbm>>
      %dma_start3A_177 = arith.constant 256 : i32
      %dma_start3A_178 = tpu.memref_slice %arg5[%dma_start3A_177] : memref<512xi32, #tpu.memory_space<vmem>> -> memref<256xi32, #tpu.memory_space<vmem>>
      %dma_start3A_179 = tpu.memref_slice %arg3[%select_n3A, %add3A_49] : memref<16x1024xi32, #tpu.memory_space<hbm>> -> memref<1x256xi32, #tpu.memory_space<hbm>>
      %dma_start3A_180 = tpu.memref_squeeze %dma_start3A_179 : memref<1x256xi32, #tpu.memory_space<hbm>> -> memref<256xi32, #tpu.memory_space<hbm>>
      tpu.enqueue_dma source(%dma_start3A_180 : memref<256xi32, #tpu.memory_space<hbm>>) target(%dma_start3A_178 : memref<256xi32, #tpu.memory_space<vmem>>) target_semaphore(%run_scoped3A : memref<!tpu.dma_semaphore, #tpu.memory_space<semaphore_mem>>)
      %dma_wait3A_181 = arith.constant 256 : i32
      %dma_wait3A_182 = tpu.memref_slice %arg5[%dma_wait3A_181] : memref<512xi32, #tpu.memory_space<vmem>> -> memref<256xi32, #tpu.memory_space<vmem>>
      %dma_wait3A_183 = tpu.memref_slice %arg3[%select_n3A, %add3A_49] : memref<16x1024xi32, #tpu.memory_space<hbm>> -> memref<1x256xi32, #tpu.memory_space<hbm>>
      %dma_wait3A_184 = tpu.memref_squeeze %dma_wait3A_183 : memref<1x256xi32, #tpu.memory_space<hbm>> -> memref<256xi32, #tpu.memory_space<hbm>>
      %dma_wait3A_185 = arith.constant 256 : i32
      %dma_wait3A_186 = tpu.memref_slice %arg5[%dma_wait3A_185] : memref<512xi32, #tpu.memory_space<vmem>> -> memref<256xi32, #tpu.memory_space<vmem>>
      %dma_wait3A_187 = tpu.memref_slice %arg3[%select_n3A, %add3A_49] : memref<16x1024xi32, #tpu.memory_space<hbm>> -> memref<1x256xi32, #tpu.memory_space<hbm>>
      %dma_wait3A_188 = tpu.memref_squeeze %dma_wait3A_187 : memref<1x256xi32, #tpu.memory_space<hbm>> -> memref<256xi32, #tpu.memory_space<hbm>>
      tpu.wait_dma2 semaphore(%run_scoped3A : memref<!tpu.dma_semaphore, #tpu.memory_space<semaphore_mem>>) src(%dma_wait3A_188 : memref<256xi32, #tpu.memory_space<hbm>>) dst(%dma_wait3A_186 : memref<256xi32, #tpu.memory_space<vmem>>)
      tpu.yield
    }) : () -> ()
    %dma_start3A_50 = arith.constant 256 : i32
    %dma_start3A_51 = arith.constant 0 : i32
    %dma_start3A_52 = tpu.memref_slice %arg6[%dma_start3A_50, %dma_start3A_51] : memref<384x256xf32, #tpu.memory_space<vmem>> -> memref<128x256xf32, #tpu.memory_space<vmem>>
    %dma_start3A_53 = arith.constant 256 : i32
    %dma_start3A_54 = tpu.memref_slice %arg5[%dma_start3A_53] : memref<512xi32, #tpu.memory_space<vmem>> -> memref<128xi32, #tpu.memory_space<vmem>>
    %dma_start3A_55 = arith.constant 0 : i32
    %dma_start3A_56 = arith.constant 0 : i32
    %dma_start3A_57 = tpu.memref_slice %arg2[%dma_start3A_55, %dma_start3A_56] : memref<8192x256xf32, #tpu.memory_space<hbm>> -> memref<8192x256xf32, #tpu.memory_space<hbm>>
    tpu.enqueue_indirect_dma source(%dma_start3A_57 : memref<8192x256xf32, #tpu.memory_space<hbm>>) target(%dma_start3A_52 : memref<128x256xf32, #tpu.memory_space<vmem>>) offsets(%dma_start3A_54 : memref<128xi32, #tpu.memory_space<vmem>>) semaphore(%arg7 : memref<!tpu.dma_semaphore, #tpu.memory_space<semaphore_mem>>)
    %dma_wait3A = arith.constant 0 : i32
    %dma_wait3A_58 = arith.constant 0 : i32
    %dma_wait3A_59 = tpu.memref_slice %arg6[%dma_wait3A, %dma_wait3A_58] : memref<384x256xf32, #tpu.memory_space<vmem>> -> memref<128x256xf32, #tpu.memory_space<vmem>>
    %dma_wait3A_60 = arith.constant 0 : i32
    %dma_wait3A_61 = tpu.memref_slice %arg5[%dma_wait3A_60] : memref<512xi32, #tpu.memory_space<vmem>> -> memref<128xi32, #tpu.memory_space<vmem>>
    %dma_wait3A_62 = arith.constant 0 : i32
    %dma_wait3A_63 = arith.constant 0 : i32
    %dma_wait3A_64 = tpu.memref_slice %arg2[%dma_wait3A_62, %dma_wait3A_63] : memref<8192x256xf32, #tpu.memory_space<hbm>> -> memref<8192x256xf32, #tpu.memory_space<hbm>>
    tpu.wait_indirect_dma semaphore(%arg7 : memref<!tpu.dma_semaphore, #tpu.memory_space<semaphore_mem>>) src(%dma_wait3A_64 : memref<8192x256xf32, #tpu.memory_space<hbm>>) dst(%dma_wait3A_59 : memref<128x256xf32, #tpu.memory_space<vmem>>)
    %dma_wait3A_65 = arith.constant 128 : i32
    %dma_wait3A_66 = arith.constant 0 : i32
    %dma_wait3A_67 = tpu.memref_slice %arg6[%dma_wait3A_65, %dma_wait3A_66] : memref<384x256xf32, #tpu.memory_space<vmem>> -> memref<128x256xf32, #tpu.memory_space<vmem>>
    %dma_wait3A_68 = arith.constant 128 : i32
    %dma_wait3A_69 = tpu.memref_slice %arg5[%dma_wait3A_68] : memref<512xi32, #tpu.memory_space<vmem>> -> memref<128xi32, #tpu.memory_space<vmem>>
    %dma_wait3A_70 = arith.constant 0 : i32
    %dma_wait3A_71 = arith.constant 0 : i32
    %dma_wait3A_72 = tpu.memref_slice %arg2[%dma_wait3A_70, %dma_wait3A_71] : memref<8192x256xf32, #tpu.memory_space<hbm>> -> memref<8192x256xf32, #tpu.memory_space<hbm>>
    tpu.wait_indirect_dma semaphore(%arg7 : memref<!tpu.dma_semaphore, #tpu.memory_space<semaphore_mem>>) src(%dma_wait3A_72 : memref<8192x256xf32, #tpu.memory_space<hbm>>) dst(%dma_wait3A_67 : memref<128x256xf32, #tpu.memory_space<vmem>>)
    %dma_start3A_73 = arith.constant 0 : i32
    %dma_start3A_74 = arith.constant 0 : i32
    %dma_start3A_75 = tpu.memref_slice %arg6[%dma_start3A_73, %dma_start3A_74] : memref<384x256xf32, #tpu.memory_space<vmem>> -> memref<256x256xf32, #tpu.memory_space<vmem>>
    %dma_start3A_76 = arith.constant 0 : i32
    %dma_start3A_77 = tpu.memref_slice %arg4[%select_n3A, %mul3A_32, %dma_start3A_76] : memref<16x1024x256xf32, #tpu.memory_space<hbm>> -> memref<1x256x256xf32, #tpu.memory_space<hbm>>
    %dma_start3A_78 = tpu.memref_squeeze %dma_start3A_77 : memref<1x256x256xf32, #tpu.memory_space<hbm>> -> memref<256x256xf32, #tpu.memory_space<hbm>>
    %dma_start3A_79 = arith.constant 0 : i32
    %dma_start3A_80 = tpu.memref_slice %arg4[%select_n3A, %mul3A_32, %dma_start3A_79] : memref<16x1024x256xf32, #tpu.memory_space<hbm>> -> memref<1x256x256xf32, #tpu.memory_space<hbm>>
    %dma_start3A_81 = tpu.memref_squeeze %dma_start3A_80 : memref<1x256x256xf32, #tpu.memory_space<hbm>> -> memref<256x256xf32, #tpu.memory_space<hbm>>
    %dma_start3A_82 = arith.constant 0 : i32
    %dma_start3A_83 = arith.constant 0 : i32
    %dma_start3A_84 = tpu.memref_slice %arg6[%dma_start3A_82, %dma_start3A_83] : memref<384x256xf32, #tpu.memory_space<vmem>> -> memref<256x256xf32, #tpu.memory_space<vmem>>
    tpu.enqueue_dma source(%dma_start3A_84 : memref<256x256xf32, #tpu.memory_space<vmem>>) target(%dma_start3A_81 : memref<256x256xf32, #tpu.memory_space<hbm>>) target_semaphore(%arg8 : memref<!tpu.dma_semaphore, #tpu.memory_space<semaphore_mem>>)
    %dma_wait3A_85 = arith.constant 0 : i32
    %dma_wait3A_86 = arith.constant 0 : i32
    %dma_wait3A_87 = tpu.memref_slice %arg6[%dma_wait3A_85, %dma_wait3A_86] : memref<384x256xf32, #tpu.memory_space<vmem>> -> memref<256x256xf32, #tpu.memory_space<vmem>>
    %dma_wait3A_88 = arith.constant 0 : i32
    %dma_wait3A_89 = tpu.memref_slice %arg4[%select_n3A, %mul3A_32, %dma_wait3A_88] : memref<16x1024x256xf32, #tpu.memory_space<hbm>> -> memref<1x256x256xf32, #tpu.memory_space<hbm>>
    %dma_wait3A_90 = tpu.memref_squeeze %dma_wait3A_89 : memref<1x256x256xf32, #tpu.memory_space<hbm>> -> memref<256x256xf32, #tpu.memory_space<hbm>>
    %dma_wait3A_91 = arith.constant 0 : i32
    %dma_wait3A_92 = tpu.memref_slice %arg4[%select_n3A, %mul3A_32, %dma_wait3A_91] : memref<16x1024x256xf32, #tpu.memory_space<hbm>> -> memref<1x256x256xf32, #tpu.memory_space<hbm>>
    %dma_wait3A_93 = tpu.memref_squeeze %dma_wait3A_92 : memref<1x256x256xf32, #tpu.memory_space<hbm>> -> memref<256x256xf32, #tpu.memory_space<hbm>>
    %dma_wait3A_94 = arith.constant 0 : i32
    %dma_wait3A_95 = arith.constant 0 : i32
    %dma_wait3A_96 = tpu.memref_slice %arg6[%dma_wait3A_94, %dma_wait3A_95] : memref<384x256xf32, #tpu.memory_space<vmem>> -> memref<256x256xf32, #tpu.memory_space<vmem>>
    tpu.wait_dma2 semaphore(%arg8 : memref<!tpu.dma_semaphore, #tpu.memory_space<semaphore_mem>>) src(%dma_wait3A_96 : memref<256x256xf32, #tpu.memory_space<vmem>>) dst(%dma_wait3A_93 : memref<256x256xf32, #tpu.memory_space<hbm>>)
    %dma_start3A_97 = arith.constant 0 : i32
    %dma_start3A_98 = arith.constant 0 : i32
    %dma_start3A_99 = tpu.memref_slice %arg6[%dma_start3A_97, %dma_start3A_98] : memref<384x256xf32, #tpu.memory_space<vmem>> -> memref<128x256xf32, #tpu.memory_space<vmem>>
    %dma_start3A_100 = arith.constant 384 : i32
    %dma_start3A_101 = tpu.memref_slice %arg5[%dma_start3A_100] : memref<512xi32, #tpu.memory_space<vmem>> -> memref<128xi32, #tpu.memory_space<vmem>>
    %dma_start3A_102 = arith.constant 0 : i32
    %dma_start3A_103 = arith.constant 0 : i32
    %dma_start3A_104 = tpu.memref_slice %arg2[%dma_start3A_102, %dma_start3A_103] : memref<8192x256xf32, #tpu.memory_space<hbm>> -> memref<8192x256xf32, #tpu.memory_space<hbm>>
    tpu.enqueue_indirect_dma source(%dma_start3A_104 : memref<8192x256xf32, #tpu.memory_space<hbm>>) target(%dma_start3A_99 : memref<128x256xf32, #tpu.memory_space<vmem>>) offsets(%dma_start3A_101 : memref<128xi32, #tpu.memory_space<vmem>>) semaphore(%arg7 : memref<!tpu.dma_semaphore, #tpu.memory_space<semaphore_mem>>)
    %dma_wait3A_105 = arith.constant 256 : i32
    %dma_wait3A_106 = arith.constant 0 : i32
    %dma_wait3A_107 = tpu.memref_slice %arg6[%dma_wait3A_105, %dma_wait3A_106] : memref<384x256xf32, #tpu.memory_space<vmem>> -> memref<128x256xf32, #tpu.memory_space<vmem>>
    %dma_wait3A_108 = arith.constant 256 : i32
    %dma_wait3A_109 = tpu.memref_slice %arg5[%dma_wait3A_108] : memref<512xi32, #tpu.memory_space<vmem>> -> memref<128xi32, #tpu.memory_space<vmem>>
    %dma_wait3A_110 = arith.constant 0 : i32
    %dma_wait3A_111 = arith.constant 0 : i32
    %dma_wait3A_112 = tpu.memref_slice %arg2[%dma_wait3A_110, %dma_wait3A_111] : memref<8192x256xf32, #tpu.memory_space<hbm>> -> memref<8192x256xf32, #tpu.memory_space<hbm>>
    tpu.wait_indirect_dma semaphore(%arg7 : memref<!tpu.dma_semaphore, #tpu.memory_space<semaphore_mem>>) src(%dma_wait3A_112 : memref<8192x256xf32, #tpu.memory_space<hbm>>) dst(%dma_wait3A_107 : memref<128x256xf32, #tpu.memory_space<vmem>>)
    %add3A_113 = arith.constant 256 : i32
    %add3A_114 = arith.addi %mul3A_32, %add3A_113 : i32
    %dma_start3A_115 = arith.constant 256 : i32
    %dma_start3A_116 = arith.constant 0 : i32
    %dma_start3A_117 = tpu.memref_slice %arg6[%dma_start3A_115, %dma_start3A_116] : memref<384x256xf32, #tpu.memory_space<vmem>> -> memref<128x256xf32, #tpu.memory_space<vmem>>
    %dma_start3A_118 = arith.constant 0 : i32
    %dma_start3A_119 = tpu.memref_slice %arg4[%select_n3A, %add3A_114, %dma_start3A_118] : memref<16x1024x256xf32, #tpu.memory_space<hbm>> -> memref<1x128x256xf32, #tpu.memory_space<hbm>>
    %dma_start3A_120 = tpu.memref_squeeze %dma_start3A_119 : memref<1x128x256xf32, #tpu.memory_space<hbm>> -> memref<128x256xf32, #tpu.memory_space<hbm>>
    %dma_start3A_121 = arith.constant 0 : i32
    %dma_start3A_122 = tpu.memref_slice %arg4[%select_n3A, %add3A_114, %dma_start3A_121] : memref<16x1024x256xf32, #tpu.memory_space<hbm>> -> memref<1x128x256xf32, #tpu.memory_space<hbm>>
    %dma_start3A_123 = tpu.memref_squeeze %dma_start3A_122 : memref<1x128x256xf32, #tpu.memory_space<hbm>> -> memref<128x256xf32, #tpu.memory_space<hbm>>
    %dma_start3A_124 = arith.constant 256 : i32
    %dma_start3A_125 = arith.constant 0 : i32
    %dma_start3A_126 = tpu.memref_slice %arg6[%dma_start3A_124, %dma_start3A_125] : memref<384x256xf32, #tpu.memory_space<vmem>> -> memref<128x256xf32, #tpu.memory_space<vmem>>
    tpu.enqueue_dma source(%dma_start3A_126 : memref<128x256xf32, #tpu.memory_space<vmem>>) target(%dma_start3A_123 : memref<128x256xf32, #tpu.memory_space<hbm>>) target_semaphore(%arg8 : memref<!tpu.dma_semaphore, #tpu.memory_space<semaphore_mem>>)
    %dma_wait3A_127 = arith.constant 0 : i32
    %dma_wait3A_128 = arith.constant 0 : i32
    %dma_wait3A_129 = tpu.memref_slice %arg6[%dma_wait3A_127, %dma_wait3A_128] : memref<384x256xf32, #tpu.memory_space<vmem>> -> memref<128x256xf32, #tpu.memory_space<vmem>>
    %dma_wait3A_130 = arith.constant 384 : i32
    %dma_wait3A_131 = tpu.memref_slice %arg5[%dma_wait3A_130] : memref<512xi32, #tpu.memory_space<vmem>> -> memref<128xi32, #tpu.memory_space<vmem>>
    %dma_wait3A_132 = arith.constant 0 : i32
    %dma_wait3A_133 = arith.constant 0 : i32
    %dma_wait3A_134 = tpu.memref_slice %arg2[%dma_wait3A_132, %dma_wait3A_133] : memref<8192x256xf32, #tpu.memory_space<hbm>> -> memref<8192x256xf32, #tpu.memory_space<hbm>>
    tpu.wait_indirect_dma semaphore(%arg7 : memref<!tpu.dma_semaphore, #tpu.memory_space<semaphore_mem>>) src(%dma_wait3A_134 : memref<8192x256xf32, #tpu.memory_space<hbm>>) dst(%dma_wait3A_129 : memref<128x256xf32, #tpu.memory_space<vmem>>)
    %add3A_135 = arith.constant 384 : i32
    %add3A_136 = arith.addi %mul3A_32, %add3A_135 : i32
    %dma_start3A_137 = arith.constant 0 : i32
    %dma_start3A_138 = arith.constant 0 : i32
    %dma_start3A_139 = tpu.memref_slice %arg6[%dma_start3A_137, %dma_start3A_138] : memref<384x256xf32, #tpu.memory_space<vmem>> -> memref<128x256xf32, #tpu.memory_space<vmem>>
    %dma_start3A_140 = arith.constant 0 : i32
    %dma_start3A_141 = tpu.memref_slice %arg4[%select_n3A, %add3A_136, %dma_start3A_140] : memref<16x1024x256xf32, #tpu.memory_space<hbm>> -> memref<1x128x256xf32, #tpu.memory_space<hbm>>
    %dma_start3A_142 = tpu.memref_squeeze %dma_start3A_141 : memref<1x128x256xf32, #tpu.memory_space<hbm>> -> memref<128x256xf32, #tpu.memory_space<hbm>>
    %dma_start3A_143 = arith.constant 0 : i32
    %dma_start3A_144 = tpu.memref_slice %arg4[%select_n3A, %add3A_136, %dma_start3A_143] : memref<16x1024x256xf32, #tpu.memory_space<hbm>> -> memref<1x128x256xf32, #tpu.memory_space<hbm>>
    %dma_start3A_145 = tpu.memref_squeeze %dma_start3A_144 : memref<1x128x256xf32, #tpu.memory_space<hbm>> -> memref<128x256xf32, #tpu.memory_space<hbm>>
    %dma_start3A_146 = arith.constant 0 : i32
    %dma_start3A_147 = arith.constant 0 : i32
    %dma_start3A_148 = tpu.memref_slice %arg6[%dma_start3A_146, %dma_start3A_147] : memref<384x256xf32, #tpu.memory_space<vmem>> -> memref<128x256xf32, #tpu.memory_space<vmem>>
    tpu.enqueue_dma source(%dma_start3A_148 : memref<128x256xf32, #tpu.memory_space<vmem>>) target(%dma_start3A_145 : memref<128x256xf32, #tpu.memory_space<hbm>>) target_semaphore(%arg8 : memref<!tpu.dma_semaphore, #tpu.memory_space<semaphore_mem>>)
    %dma_wait3A_149 = arith.constant 256 : i32
    %dma_wait3A_150 = arith.constant 0 : i32
    %dma_wait3A_151 = tpu.memref_slice %arg6[%dma_wait3A_149, %dma_wait3A_150] : memref<384x256xf32, #tpu.memory_space<vmem>> -> memref<128x256xf32, #tpu.memory_space<vmem>>
    %dma_wait3A_152 = arith.constant 0 : i32
    %dma_wait3A_153 = tpu.memref_slice %arg4[%select_n3A, %add3A_114, %dma_wait3A_152] : memref<16x1024x256xf32, #tpu.memory_space<hbm>> -> memref<1x128x256xf32, #tpu.memory_space<hbm>>
    %dma_wait3A_154 = tpu.memref_squeeze %dma_wait3A_153 : memref<1x128x256xf32, #tpu.memory_space<hbm>> -> memref<128x256xf32, #tpu.memory_space<hbm>>
    %dma_wait3A_155 = arith.constant 0 : i32
    %dma_wait3A_156 = tpu.memref_slice %arg4[%select_n3A, %add3A_114, %dma_wait3A_155] : memref<16x1024x256xf32, #tpu.memory_space<hbm>> -> memref<1x128x256xf32, #tpu.memory_space<hbm>>
    %dma_wait3A_157 = tpu.memref_squeeze %dma_wait3A_156 : memref<1x128x256xf32, #tpu.memory_space<hbm>> -> memref<128x256xf32, #tpu.memory_space<hbm>>
    %dma_wait3A_158 = arith.constant 256 : i32
    %dma_wait3A_159 = arith.constant 0 : i32
    %dma_wait3A_160 = tpu.memref_slice %arg6[%dma_wait3A_158, %dma_wait3A_159] : memref<384x256xf32, #tpu.memory_space<vmem>> -> memref<128x256xf32, #tpu.memory_space<vmem>>
    tpu.wait_dma2 semaphore(%arg8 : memref<!tpu.dma_semaphore, #tpu.memory_space<semaphore_mem>>) src(%dma_wait3A_160 : memref<128x256xf32, #tpu.memory_space<vmem>>) dst(%dma_wait3A_157 : memref<128x256xf32, #tpu.memory_space<hbm>>)
    %dma_wait3A_161 = arith.constant 0 : i32
    %dma_wait3A_162 = arith.constant 0 : i32
    %dma_wait3A_163 = tpu.memref_slice %arg6[%dma_wait3A_161, %dma_wait3A_162] : memref<384x256xf32, #tpu.memory_space<vmem>> -> memref<128x256xf32, #tpu.memory_space<vmem>>
    %dma_wait3A_164 = arith.constant 0 : i32
    %dma_wait3A_165 = tpu.memref_slice %arg4[%select_n3A, %add3A_136, %dma_wait3A_164] : memref<16x1024x256xf32, #tpu.memory_space<hbm>> -> memref<1x128x256xf32, #tpu.memory_space<hbm>>
    %dma_wait3A_166 = tpu.memref_squeeze %dma_wait3A_165 : memref<1x128x256xf32, #tpu.memory_space<hbm>> -> memref<128x256xf32, #tpu.memory_space<hbm>>
    %dma_wait3A_167 = arith.constant 0 : i32
    %dma_wait3A_168 = tpu.memref_slice %arg4[%select_n3A, %add3A_136, %dma_wait3A_167] : memref<16x1024x256xf32, #tpu.memory_space<hbm>> -> memref<1x128x256xf32, #tpu.memory_space<hbm>>
    %dma_wait3A_169 = tpu.memref_squeeze %dma_wait3A_168 : memref<1x128x256xf32, #tpu.memory_space<hbm>> -> memref<128x256xf32, #tpu.memory_space<hbm>>
    %dma_wait3A_170 = arith.constant 0 : i32
    %dma_wait3A_171 = arith.constant 0 : i32
    %dma_wait3A_172 = tpu.memref_slice %arg6[%dma_wait3A_170, %dma_wait3A_171] : memref<384x256xf32, #tpu.memory_space<vmem>> -> memref<128x256xf32, #tpu.memory_space<vmem>>
    tpu.wait_dma2 semaphore(%arg8 : memref<!tpu.dma_semaphore, #tpu.memory_space<semaphore_mem>>) src(%dma_wait3A_172 : memref<128x256xf32, #tpu.memory_space<vmem>>) dst(%dma_wait3A_169 : memref<128x256xf32, #tpu.memory_space<hbm>>)
    return
  }
}

module attributes {stable_mosaic.version = 14 : i64} {
  func.func @_tr_body(%arg0: i32, %arg1: memref<256x4096xf32, #tpu.memory_space<vmem>>, %arg2: memref<4096x256xf32, #tpu.memory_space<vmem>>) attributes {dimension_semantics = [#tpu.dimension_semantics<arbitrary>], iteration_bounds = array<i64: 2>, scalar_prefetch = 0 : i64, scratch_operands = 0 : i64, tpu.core_type = #tpu.core_type<tc>, window_params = [{transform_indices = @transform_0, window_bounds = array<i64: 256, 4096>}, {transform_indices = @transform_1, window_bounds = array<i64: 4096, 256>}]} {
    %get3A = arith.constant 0 : index
    %get3A_0 = arith.constant 0 : index
    %get3A_1 = vector.load %arg1[%get3A, %get3A_0] : memref<256x4096xf32, #tpu.memory_space<vmem>>, vector<256x4096xf32>
    %transpose3A = tpu.transpose %get3A_1, [1, 0] : vector<256x4096xf32> -> vector<4096x256xf32>
    %swap3A = arith.constant 0 : index
    %swap3A_2 = arith.constant 0 : index
    %swap3A_3 = vector.load %arg2[%swap3A, %swap3A_2] : memref<4096x256xf32, #tpu.memory_space<vmem>>, vector<4096x256xf32>
    tpu.vector_store %arg2[%swap3A, %swap3A_2], %transpose3A {strides = array<i32>} : memref<4096x256xf32, #tpu.memory_space<vmem>>, vector<4096x256xf32>,
    return
  }
  func.func @transform_0(%arg0: i32) -> (i32, i32) {
    %c0_i32 = arith.constant 0 : i32
    %c0_i32_0 = arith.constant 0 : i32
    return %c0_i32, %arg0 : i32, i32
  }
  func.func @transform_1(%arg0: i32) -> (i32, i32) {
    %c0_i32 = arith.constant 0 : i32
    %c0_i32_0 = arith.constant 0 : i32
    return %arg0, %c0_i32 : i32, i32
  }
}

</mosaic_0001>

<sc_bundles>
// kernel: kernel.4.cloned.1.call-start
scs
__scs_entry_jumppad:
0x0: {  	(pc) =	sbr.rel $0x88, $3  }
0x1: {  	(tag) =	ssettag $0x0;
	lr =	simm.s32 $0x1  }
0x2: {  	[smem:$0x3F9F] =	sst lr;
	_ =	strace $0xD0000000  }
0x3: {  	_ = 	snop  }
0x4: {  	_ = 	snop  }
0x5: {  	_ = 	snop  }
0x6: {  	_ = 	snop  }
0x7: {  	_ = 	snop  }
__scs_overlays_trampoline_lowered:
0x8: {  	[smem:$0x3FAE] =	sst s0  }
0x9: {  	[smem:$0x3FAF] =	sst s1  }
0xa: {  	[smem:$0x3FB0] =	sst s2  }
0xb: {  	[smem:$0x3FB1] =	sst s3  }
0xc: {  	[smem:$0x3FB2] =	sst s4  }
0xd: {  	[smem:$0x3FB3] =	sst s5  }
0xe: {  	[smem:$0x3FB4] =	sst s6  }
0xf: {  	[smem:$0x3FB5] =	sst s7  }
0x10: {  	[smem:$0x3FB6] =	sst s8  }
0x11: {  	[smem:$0x3FB7] =	sst s9;
	s0 =	simm.s32 @!p0 $0x0  }
0x12: {  	s1 =	sld [smem:$0x3F9D];
	s0 =	simm.s32 @p0 $0x1  }
0x13: {  	[smem:$0x3FB8] =	sst s0;
	s0 =	simm.s32 @!p1 $0x0  }
0x14: {  	s2 =	sld [smem:$0x3F9C];
	s0 =	simm.s32 @p1 $0x1  }
0x15: {  	[smem:$0x3FB9] =	sst s0;
	s0 =	simm.s32 @!p2 $0x0  }
0x16: {  	s3 =	sld [smem:$0x3FDB];
	s0 =	simm.s32 @p2 $0x1  }
0x17: {  	s4 =	simm.s32 $0x1BF5;
	[smem:$0x3FBB] =	sst s0  }
0x18: {  	s0 =	sld [smem:$0x3F9E];
	_ =	swait.ge [sflag:s4], $0x0  }
0x19: {  	s7 =	sld [smem:$0x3F9F]  }
0x1a: {  	s8 =	sadd.s32 $0xFFFFE003, lr  }
0x1b: {  	s9 =	sadd.s32 $0xFFFFFEF7, lr;
	s5 =	simm.s32 $0xFFFFFFFF;
	p2 =	slt.u32 s8, $0xFFFFF086  }
0x1c: {  	p1 =	slt.u32 s9, $0xF7A;
	s5 =	simm.s32 @!p2 $0x0  }
0x1d: {  	s5 =	simm.s32 @p1 $0x1;
	p0 =	seq.s32 s7, s2  }
0x1e: {  	s7 =	smul.u32 @!p0 $0xF7A, s2;
	p2 =	seq.s32 @!p0 s5, $0x0  }
0x1f: {  	s9 =	smul.u32 $0xF7A, s1;
	s8 =	simm.s32 @!p0 $0x1BF5;
	p2 =	por !p2, p0  }
0x20: {  	[sflag:s8] =	ssyncset.s32 @!p0 $0xFFFFF086;
	s6 =	sadd.s32 @!p0 s3, s7;
	s7 =	simm.s32 @!p0 $0x108  }
0x21: {  	s3 =	sadd.s32 s3, s9;
	s6 =	sadd.s32 @!p0 $0x88, s6;
	s7 =	simm.s32 @p2 $0x1082  }
0x22: {  	[simem:s7], [sflag:s8] =	dma.local @!p0 [hbm:s6], $0xF7A  }
0x23: {  	s9 =	sor.u32 $0xD0000000, s2;
	s6 =	simm.s32 $0x108;
	_ =	swait.ge @!p0 [sflag:s8], $0x0  }
0x24: {  	s3 =	sadd.s32 $0x88, s3;
	s6 =	simm.s32 @!p1 $0x1082;
	[sflag:s4] =	ssyncset.s32 $0xFFFFF086  }
0x25: {  	[simem:s6], [sflag:s4] =	dma.local [hbm:s3], $0xF7A  }
0x26: {  	[smem:$0x3F9F] =	sst s1;
	(tag) =	ssettag s2;
	_ =	strace s9  }
0x27: {  	s1 =	sld [smem:$0x3FAF]  }
0x28: {  	s2 =	sld [smem:$0x3FB0]  }
0x29: {  	s4 =	sld [smem:$0x3FB2]  }
0x2a: {  	p0 =	seq.s32 s5, $0x0;
	s5 =	sld [smem:$0x3FB3]  }
0x2b: {  	s6 =	sld [smem:$0x3FB4]  }
0x2c: {  	s7 =	sld [smem:$0x3FB5]  }
0x2d: {  	s3 =	simm.s32 $0x108;
	s8 =	sld [smem:$0x3FB6]  }
0x2e: {  	s3 =	simm.s32 @!p0 $0x1082;
	s9 =	sld [smem:$0x3FB7]  }
0x2f: {  	lr =	sadd.s32 s0, s3;
	s0 =	sld [smem:$0x3FAE]  }
0x30: {  	s3 =	sld [smem:$0x3FB1]  }
0x31: {  	[smem:$0x3FBA] =	sst s10  }
0x32: {  	s10 =	sld [smem:$0x3FB8];
	_ =	sdelay $0x3  }
0x33: {  	p0 =	seq.s32 s10, $0x1;
	s10 =	sld [smem:$0x3FBA];
	_ =	sdelay $0x3  }
0x34: {  	[smem:$0x3FBA] =	sst s10  }
0x35: {  	s10 =	sld [smem:$0x3FB9];
	_ =	sdelay $0x3  }
0x36: {  	p1 =	seq.s32 s10, $0x1;
	s10 =	sld [smem:$0x3FBA];
	_ =	sdelay $0x3  }
0x37: {  	[smem:$0x3FBA] =	sst s10  }
0x38: {  	s10 =	sld [smem:$0x3FBB]  }
0x39: {  	_ = 	snop;
	(pc) =	sbr.ind lr, $3  }
0x3a: {  	_ = 	snop  }
0x3b: {  	_ = 	snop  }
0x3c: {  	p2 =	seq.s32 s10, $0x1;
	s10 =	sld [smem:$0x3FBA]  }
0x3d: {  	_ =	shalt  }
0x3e: {  	_ =	shalt  }
0x3f: {  	_ =	shalt  }
0x40: {  	_ =	shalt  }
0x41: {  	_ =	shalt  }
0x42: {  	_ =	shalt  }
0x43: {  	_ =	shalt  }
0x44: {  	_ =	shalt  }
0x45: {  	_ =	shalt  }
0x46: {  	_ =	shalt  }
0x47: {  	_ =	shalt  }
0x48: {  	_ =	shalt  }
0x49: {  	_ =	shalt  }
0x4a: {  	_ =	shalt  }
0x4b: {  	_ =	shalt  }
0x4c: {  	_ =	shalt  }
0x4d: {  	_ =	shalt  }
0x4e: {  	_ =	shalt  }
0x4f: {  	_ =	shalt  }
0x50: {  	_ =	shalt  }
0x51: {  	_ =	shalt  }
0x52: {  	_ =	shalt  }
0x53: {  	_ =	shalt  }
0x54: {  	_ =	shalt  }
0x55: {  	_ =	shalt  }
0x56: {  	_ =	shalt  }
0x57: {  	_ =	shalt  }
0x58: {  	_ =	shalt  }
0x59: {  	_ =	shalt  }
0x5a: {  	_ =	shalt  }
0x5b: {  	_ =	shalt  }
0x5c: {  	_ =	shalt  }
0x5d: {  	_ =	shalt  }
0x5e: {  	_ =	shalt  }
0x5f: {  	_ =	shalt  }
0x60: {  	_ =	shalt  }
0x61: {  	_ =	shalt  }
0x62: {  	_ =	shalt  }
0x63: {  	_ =	shalt  }
0x64: {  	_ =	shalt  }
0x65: {  	_ =	shalt  }
0x66: {  	_ =	shalt  }
0x67: {  	_ =	shalt  }
0x68: {  	_ =	shalt  }
0x69: {  	_ =	shalt  }
0x6a: {  	_ =	shalt  }
0x6b: {  	_ =	shalt  }
0x6c: {  	_ =	shalt  }
0x6d: {  	_ =	shalt  }
0x6e: {  	_ =	shalt  }
0x6f: {  	_ =	shalt  }
0x70: {  	_ =	shalt  }
0x71: {  	_ =	shalt  }
0x72: {  	_ =	shalt  }
0x73: {  	_ =	shalt  }
0x74: {  	_ =	shalt  }
0x75: {  	_ =	shalt  }
0x76: {  	_ =	shalt  }
0x77: {  	_ =	shalt  }
0x78: {  	_ =	shalt  }
0x79: {  	_ =	shalt  }
0x7a: {  	_ =	shalt  }
0x7b: {  	_ =	shalt  }
0x7c: {  	_ =	shalt  }
0x7d: {  	_ =	shalt  }
0x7e: {  	_ =	shalt  }
0x7f: {  	_ =	shalt  }
0x80: {  	_ =	shalt  }
0x81: {  	_ =	shalt  }
0x82: {  	_ =	shalt  }
0x83: {  	_ =	shalt  }
0x84: {  	_ =	shalt  }
0x85: {  	_ =	shalt  }
0x86: {  	_ =	shalt  }
0x87: {  	_ =	shalt  }
.Lfunc_end0:
.L_simem_size_0:
called_computation_lowered:
.L_overlay_start_0:
0x88: {  	s2 =	sld [smem:$0x3FD9]  }
0x89: {  	s3 =	sld [smem:$0x3FFE];
	_ =	sdelay $0x1  }
0x8a: {  	s1 =	srdreg.scid  }
0x8b: {  	s0 =	sand.u32 $0x1, s1  }
0x8c: {  	s17 =	sshll.u32 s0, $0xA;
	s2 =	sadd.s32 s3, s2  }
0x8d: {  	s2 =	sadd.s32 s2, s17  }
0x8e: {  	[smem:$0x3FC6] =	sst s2  }
0x8f: {  	_ = 	snop  }
0x90: {  	s2 =	sld [smem:$0x3FC9]  }
0x91: {  	s18 =	sld [smem:$0x3FD0];
	(tm) =	ssettm $0x1  }
0x92: {  	s4 =	sld [smem:$0x3FFB];
	_ =	sdelay $0x3  }
0x93: {  	_ =	strace s4  }
0x94: {  	s4 =	sld [smem:$0x3FFC];
	_ =	sdelay $0x3  }
0x95: {  	_ =	strace s4  }
0x96: {  	s4 =	sld [smem:$0x3FFD];
	_ =	sdelay $0x3  }
0x97: {  	_ =	strace s4  }
0x98: {  	_ =	strace $0x8FFFFFFF  }
0x99: {  	s19 =	sld [smem:$0x3FDB];
	_ =	sdelay $0x1  }
0x9a: {  	s5 =	simm.s32 $_scs_section_size  }
0x9b: {  	s6 =	simm.s32 $_size__tile_overlayer_lowered;
	s7 =	simm.s32 $_tile_overlayer_lowered  }
0x9c: {  	s22 =	simm.s32 $0x1BFF;
	s21 =	sshll.u32 s7, $0x1;
	s4 =	sadd.s32 s5, s19  }
0x9d: {  	s8 =	simm.s32 $0x0;
	s20 =	sshll.u32 s6, $0x1;
	s6 =	sadd.s32 s21, s4  }
0x9e: {  	[timem:s8], [sflag:s22] =	dma.local [hbm:s6], s20  }
0x9f: {  	_ =	swait.ge [sflag:s22], s20  }
0xa0: {  	s5 =	ssub.s32 $0x0, s20;
	[sflag:s22] =	ssyncset.done $0x0  }
0xa1: {  	[sflag:s22] =	ssyncadd.s32 s5;
	_ =	sdelay $0x1  }
0xa2: {  	s23 =	simm.s32 $0x1B8B  }
0xa3: {  	_ =	swait.ge [sflag:s23], $0x1  }
0xa4: {  	[sflag:s23] =	ssyncset.done $0x0  }
0xa5: {  	s25 =	simm.s32 $0x1B8E;
	s24 =	sld [smem:$0x3FFE];
	[sflag:s23] =	ssyncadd.s32 $0xFFFFFFFF  }
0xa6: {  	s26 =	simm.s32 $execute0_lowered;
	[smem:$0x3FD2] =	sst s25  }
0xa7: {  	s6 =	sshll.u32 s26, $0x1;
	_ =	strace $0x80000046;
	[dreg:$0x1] =	wrdreg $0xFFFFFFFF  }
0xa8: {  	s28 =	simm.s32 $_size_execute0_lowered;
	s4 =	sadd.s32 s4, s6;
	[dreg:$0x0] =	wrdreg $0x0  }
0xa9: {  	s6 =	sshll.u32 s28, $0x1;
	[dreg:$0x2] =	wrdreg s4  }
0xaa: {  	[dreg:$0x3] =	wrdreg s6  }
0xab: {  	[dreg:$0x4] =	wrdreg $0xC0  }
0xac: {  	_ =	task [dreg:s8], $0x5FFFF  }
0xad: {  	[dreg:$0x1] =	wrdreg $0xFFFFFFFF  }
0xae: {  	[dreg:$0x0] =	wrdreg $0x60  }
0xaf: {  	[dreg:$0x2] =	wrdreg s24  }
0xb0: {  	[dreg:$0x3] =	wrdreg s2  }
0xb1: {  	[dreg:$0x4] =	wrdreg s18  }
0xb2: {  	[dreg:$0x5] =	wrdreg $0x9  }
0xb3: {  	_ =	task.clear_ibuf [dreg:s8], $0x6FFFF;
	_ =	strace $0x90000046  }
0xb4: {  	s29 =	simm.s32 $0x9;
	_ =	strace $0x80000048  }
0xb5: {  	_ =	swait.ge [sflag:s29], $0x1  }
0xb6: {  	[sflag:s29] =	ssyncadd.s32 $0xFFFFFFFF  }
0xb7: {  	_ =	strace $0x90000048  }
0xb8: {  	_ =	sfence  }
0xb9: {  	s30 =	sld [smem:$0x0];
	_ =	sdelay $0x2  }
0xba: {  	s31 =	sshll.u32 s1, $0xD;
	s1 =	sshrl.u32 s1, $0x2  }
0xbb: {  	s3 =	sand.u32 $0x4000, s31;
	s1 =	sadd.s32 s1, s30  }
0xbc: {  	s0 =	sor.u32 s3, s0;
	s1 =	sshll.u32 s1, $0x11  }
0xbd: {  	s0 =	sor.u32 s1, s0  }
0xbe: {  	s0 =	sadd.s32 $0x8F2B, s0  }
0xbf: {  	[sflag:s0] =	ssyncadd.remote.s32 $0x1  }
0xc0: {  	_ =	sfence.sel $0xFFFF  }
0xc1: {  	[dreg:$0x0] =	wrdreg $0xFFFFFFFF;
	(pc) =	sbr.abs _section_cstart, $3  }
0xc2: {  	[dreg:$0x1] =	wrdreg $0xFFFFFFFF  }
0xc3: {  	_ =	task.clear_ibuf [dreg:s8], $0x2FFFF;
	_ =	strace $0x9FFFFFFF  }
0xc4: {  	(tm) =	ssettm $0x7FFFFFFF  }
0xc5: {  	_ =	shalt  }
tec
execute0_lowered:
.L_overlay_start_1:
0x0: {  	(tag) =	ssettag $0x1  }
0x1: {  	s1 =	srdreg.scid  }
0x2: {  	s0 =	stileid.u32;
	s4 =	rddreg [dreg:$0x0];
	s1 =	sand.u32 $0x1, s1  }
0x3: {  	s3 =	rddreg [dreg:$0x1];
	s2 =	sor.u32 s1, s0  }
0x4: {  	s5 =	rddreg [dreg:$0x2];
	p1 =	seq.s32 s1, $0x1;
	p0 =	seq.s32 s2, $0x0  }
0x5: {  	s24 =	simm.s32 $0x8200;
	s25 =	simm.s32 $0x8A00;
	p0 =	por !p0, !p1  }
0x6: {  	s26 =	simm.s32 $0x9200;
	s2 =	simm.s32 $0x1;
	p0 =	por !p0, !p0  }
0x7: {  	s28 =	simm.s32 $0x9A00;
	s29 =	simm.s32 $0xA200;
	s2 =	simm.s32 @!p0 $0x0  }
0x8: {  	s12 =	simm.s32 $0xDA00;
	s13 =	simm.s32 $0xE200;
	s6 =	ssub.s32 s0, s2  }
0x9: {  	s14 =	simm.s32 $0xEA00;
	s15 =	simm.s32 $0xF200;
	s2 =	sshll.u32 s6, $0xA  }
0xa: {  	s16 =	simm.s32 $0xFA00;
	s7 =	sand.u32 $0xFFFFE000, s2;
	s2 =	simm.s32 $0x0  }
0xb: {  	s17 =	simm.s32 $0x100;
	s18 =	simm.s32 $0x10A00;
	[smem:$0x7FF] =	sst s2  }
0xc: {  	s19 =	simm.s32 $0x11200;
	_ =	strace $0x80000047;
	[dreg:$0x8] =	wrdreg s24  }
0xd: {  	s30 =	simm.s32 $0x17200;
	s9 =	sshll.u32 s1, $0x9;
	[dreg:$0x9] =	wrdreg s25  }
0xe: {  	s31 =	simm.s32 $0x17A00;
	s9 =	sor.u32 $0x100, s9;
	[dreg:$0xa] =	wrdreg s26  }
0xf: {  	s20 =	sshll.u32 s1, $0xC;
	s11 =	sshll.u32 s9, $0x3;
	[dreg:$0xb] =	wrdreg s28  }
0x10: {  	s0 =	simm.s32 $0xAA00;
	s10 =	sor.u32 s20, s7;
	[dreg:$0xc] =	wrdreg s29  }
0x11: {  	s7 =	sor.u32 s11, s7;
	s11 =	simm.s32 $0xD200;
	[dreg:$0xd] =	wrdreg s0  }
0x12: {  	s4 =	sadd.s32 $0x800, s4;
	s21 =	sshll.u32 s1, $0x11;
	[dreg:$0x12] =	wrdreg s11  }
0x13: {  	s1 =	ssub.s32 $0x2, s1;
	s9 =	sshll.u32 s9, $0x8;
	[dreg:$0x13] =	wrdreg s12  }
0x14: {  	s8 =	sshll.u32 s6, $0x7;
	s6 =	sshll.u32 s6, $0x12;
	[dreg:$0x14] =	wrdreg s13  }
0x15: {  	s8 =	sand.u32 $0x380, s8;
	s20 =	simm.s32 $0x11A00;
	[dreg:$0x15] =	wrdreg s14  }
0x16: {  	s10 =	sor.u32 s8, s10;
	s7 =	sor.u32 s8, s7;
	[dreg:$0x16] =	wrdreg s15  }
0x17: {  	s8 =	sor.u32 s21, s6;
	s6 =	sor.u32 s9, s6;
	[dreg:$0x17] =	wrdreg s16  }
0x18: {  	s9 =	simm.s32 $0xC200;
	s11 =	simm.s32 $0xA00;
	[dreg:$0x18] =	wrdreg s17  }
0x19: {  	s12 =	simm.s32 $0x1200;
	s13 =	simm.s32 $0x1A00;
	[dreg:$0x19] =	wrdreg s18  }
0x1a: {  	s14 =	simm.s32 $0x2200;
	s15 =	simm.s32 $0x2A00;
	[dreg:$0x1a] =	wrdreg s19  }
0x1b: {  	s16 =	simm.s32 $0x3200;
	[dreg:$0x1b] =	wrdreg s20;
	s21 =	simm.s32 $0x12200  }
0x1c: {  	s17 =	simm.s32 $0x3A00;
	s18 =	simm.s32 $0x4200;
	s19 =	simm.s32 $0x4A00  }
0x1d: {  	s24 =	simm.s32 $0x13A00;
	s20 =	simm.s32 $0x5200;
	[dreg:$0x10] =	wrdreg s9  }
0x1e: {  	s25 =	simm.s32 $0x14200;
	s26 =	simm.s32 $0x14A00;
	[dreg:$0x1c] =	wrdreg s21  }
0x1f: {  	s28 =	simm.s32 $0x15200;
	s29 =	simm.s32 $0x15A00;
	[dreg:$0x1f] =	wrdreg s24  }
0x20: {  	s10 =	sshrl.u32 s10, $0x3;
	s7 =	sshrl.u32 s7, $0x3;
	[smem:$0x7FA] =	sst s25  }
0x21: {  	s22 =	sshrl.u32 s8, $0x3;
	s6 =	sshrl.u32 s6, $0x3;
	[smem:$0x7FB] =	sst s26  }
0x22: {  	s8 =	simm.s32 $0xBA00;
	s9 =	simm.s32 $0x3;
	[smem:$0x7FC] =	sst s28  }
0x23: {  	s21 =	simm.s32 $0x5A00;
	s24 =	simm.s32 $0x7200;
	[smem:$0x7FD] =	sst s29  }
0x24: {  	s25 =	simm.s32 $0x7A00;
	s10 =	sadd.s32 s3, s10;
	[dreg:$0xf] =	wrdreg s8  }
0x25: {  	s26 =	simm.s32 $0x10200;
	s3 =	sadd.s32 s3, s7;
	[dreg:$0x4] =	wrdreg s10  }
0x26: {  	s7 =	sshrl.u32 s1, $0x1;
	s8 =	simm.s32 $0x400;
	[dreg:$0x5] =	wrdreg s3  }
0x27: {  	s3 =	sadd.s32 s5, s22;
	s5 =	sadd.s32 s5, s6;
	s6 =	simm.s32 $0xB200  }
0x28: {  	s1 =	ssub.s32 s1, s7;
	s10 =	simm.s32 $0xCA00;
	[dreg:$0x6] =	wrdreg s5  }
0x29: {  	s7 =	simm.s32 $0x80;
	s22 =	simm.s32 $0x12A00;
	[dreg:$0xe] =	wrdreg s6  }
0x2a: {  	s23 =	sadd.s32 $0x3000, s3;
	s5 =	simm.s32 $0x1;
	[dreg:$0x11] =	wrdreg s10  }
0x2b: {  	v2 =	vlaneseq.u32;
	s6 =	smax.u32 s1, $0x1;
	s10 =	simm.s32 $0x200;
	[dreg:$0x1d] =	wrdreg s22  }
0x2c: {  	vm0 =	vmmov $0xffff;
	v1 =	vshrl.u32 v2, $0x3;
	s22 =	simm.s32 $0x6200;
	[dreg:$0x7] =	wrdreg s23;
	s23 =	simm.s32 $0x13200  }
0x2d: {  	v0 =	vand.u32 $0x7, v2;
	v2 =	vor.u32 $0x8, v2;
	v1 =	vmul.u32 $0x8, v1;
	s1 =	simm.s32 $0x2;
	[dreg:$0x1e] =	wrdreg s23;
	s23 =	simm.s32 $0x6A00  }
.LBB2_1:
0x2e: {  	s0 =	rddreg [dreg:$0x4]  }
0x2f: {  	[tilespmem:s2], [sflag:$0x3] =	stream.strided.gather [hbm4b:s0+s7], $0x100, s8, s7, $0x38;
	[tilespmem:$0x18200] =	vst v63  }
0x30: {  	_ =	swait.ge [sflag:s9], $0x100  }
0x31: {  	[sflag:s9] =	ssyncset.done $0x0  }
0x32: {  	[sflag:s9] =	ssyncadd.s32 $0xFFFFFF00  }
0x33: {  	v3 =	vld [tilespmem:$0x0];
	_ =	sdelay $0x4  }
0x34: {  	v4 =	vshll.u32 v3, $0x1  }
0x35: {  	v3 =	vand.u32 $0x7, v3;
	v4 =	vand.u32 $0xFFFFFFF0, v4  }
0x36: {  	v3 =	vor.u32 v3, v4  }
0x37: {  	v4 =	vperm.xlane v3, v0;
	_ =	sdelay $0x1  }
0x38: {  	v3 =	vperm.xlane v3, v2;
	v4 =	vadd.s32 v1, v4;
	_ =	sdelay $0x1  }
0x39: {  	v3 =	vadd.s32 v1, v3;
	_ =	sdelay $0x2  }
0x3a: {  	[tilespmem:s10], [sflag:$0x1] =	stream.indirect_vreg.gather [hbm4b:s4+s2], $0x80, v4, vm0, $0xb8;
	[tilespmem:$0x18200] =	vst v63  }
0x3b: {  	_ = 	snop  }
0x3c: {  	[tilespmem:s11], [sflag:$0x1] =	stream.indirect_vreg.gather [hbm4b:s4+s2], $0x80, v3, vm0, $0xb8;
	[tilespmem:$0x18200] =	vst v63  }
0x3d: {  	v3 =	vld [tilespmem:$0x10];
	_ =	sdelay $0x4  }
0x3e: {  	v33 =	vshll.u32 v3, $0x1  }
0x3f: {  	v3 =	vand.u32 $0x7, v3;
	v4 =	vand.u32 $0xFFFFFFF0, v33  }
0x40: {  	v3 =	vor.u32 v3, v4  }
0x41: {  	v4 =	vperm.xlane v3, v0;
	_ =	sdelay $0x1  }
0x42: {  	v3 =	vperm.xlane v3, v2;
	v4 =	vadd.s32 v1, v4;
	_ =	sdelay $0x1  }
0x43: {  	v3 =	vadd.s32 v1, v3;
	_ =	sdelay $0x2  }
0x44: {  	[tilespmem:s12], [sflag:$0x1] =	stream.indirect_vreg.gather [hbm4b:s4+s2], $0x80, v4, vm0, $0xb8;
	[tilespmem:$0x18200] =	vst v63  }
0x45: {  	_ = 	snop  }
0x46: {  	[tilespmem:s13], [sflag:$0x1] =	stream.indirect_vreg.gather [hbm4b:s4+s2], $0x80, v3, vm0, $0xb8;
	[tilespmem:$0x18200] =	vst v63  }
0x47: {  	v3 =	vld [tilespmem:$0x20];
	_ =	sdelay $0x4  }
0x48: {  	v34 =	vshll.u32 v3, $0x1  }
0x49: {  	v3 =	vand.u32 $0x7, v3;
	v4 =	vand.u32 $0xFFFFFFF0, v34  }
0x4a: {  	v3 =	vor.u32 v3, v4  }
0x4b: {  	v4 =	vperm.xlane v3, v0;
	_ =	sdelay $0x1  }
0x4c: {  	v3 =	vperm.xlane v3, v2;
	v4 =	vadd.s32 v1, v4;
	_ =	sdelay $0x1  }
0x4d: {  	v3 =	vadd.s32 v1, v3;
	_ =	sdelay $0x2  }
0x4e: {  	[tilespmem:s14], [sflag:$0x1] =	stream.indirect_vreg.gather [hbm4b:s4+s2], $0x80, v4, vm0, $0xb8;
	[tilespmem:$0x18200] =	vst v63  }
0x4f: {  	_ = 	snop  }
0x50: {  	[tilespmem:s15], [sflag:$0x1] =	stream.indirect_vreg.gather [hbm4b:s4+s2], $0x80, v3, vm0, $0xb8;
	[tilespmem:$0x18200] =	vst v63  }
0x51: {  	v3 =	vld [tilespmem:$0x30];
	_ =	sdelay $0x4  }
0x52: {  	v35 =	vshll.u32 v3, $0x1  }
0x53: {  	v3 =	vand.u32 $0x7, v3;
	v4 =	vand.u32 $0xFFFFFFF0, v35  }
0x54: {  	v3 =	vor.u32 v3, v4  }
0x55: {  	v4 =	vperm.xlane v3, v0;
	_ =	sdelay $0x1  }
0x56: {  	v3 =	vperm.xlane v3, v2;
	v4 =	vadd.s32 v1, v4;
	_ =	sdelay $0x1  }
0x57: {  	v3 =	vadd.s32 v1, v3;
	_ =	sdelay $0x2  }
0x58: {  	[tilespmem:s16], [sflag:$0x1] =	stream.indirect_vreg.gather [hbm4b:s4+s2], $0x80, v4, vm0, $0xb8;
	[tilespmem:$0x18200] =	vst v63  }
0x59: {  	_ = 	snop  }
0x5a: {  	[tilespmem:s17], [sflag:$0x1] =	stream.indirect_vreg.gather [hbm4b:s4+s2], $0x80, v3, vm0, $0xb8;
	[tilespmem:$0x18200] =	vst v63  }
0x5b: {  	v3 =	vld [tilespmem:$0x40];
	_ =	sdelay $0x4  }
0x5c: {  	v36 =	vshll.u32 v3, $0x1  }
0x5d: {  	v3 =	vand.u32 $0x7, v3;
	v4 =	vand.u32 $0xFFFFFFF0, v36  }
0x5e: {  	v3 =	vor.u32 v3, v4  }
0x5f: {  	v4 =	vperm.xlane v3, v0;
	_ =	sdelay $0x1  }
0x60: {  	v3 =	vperm.xlane v3, v2;
	v4 =	vadd.s32 v1, v4;
	_ =	sdelay $0x1  }
0x61: {  	v3 =	vadd.s32 v1, v3;
	_ =	sdelay $0x2  }
0x62: {  	[tilespmem:s18], [sflag:$0x1] =	stream.indirect_vreg.gather [hbm4b:s4+s2], $0x80, v4, vm0, $0xb8;
	[tilespmem:$0x18200] =	vst v63  }
0x63: {  	_ = 	snop  }
0x64: {  	[tilespmem:s19], [sflag:$0x1] =	stream.indirect_vreg.gather [hbm4b:s4+s2], $0x80, v3, vm0, $0xb8;
	[tilespmem:$0x18200] =	vst v63  }
0x65: {  	v3 =	vld [tilespmem:$0x50];
	_ =	sdelay $0x4  }
0x66: {  	v37 =	vshll.u32 v3, $0x1  }
0x67: {  	v3 =	vand.u32 $0x7, v3;
	v4 =	vand.u32 $0xFFFFFFF0, v37  }
0x68: {  	v3 =	vor.u32 v3, v4  }
0x69: {  	v4 =	vperm.xlane v3, v0;
	_ =	sdelay $0x1  }
0x6a: {  	v3 =	vperm.xlane v3, v2;
	v4 =	vadd.s32 v1, v4;
	_ =	sdelay $0x1  }
0x6b: {  	v3 =	vadd.s32 v1, v3;
	_ =	sdelay $0x2  }
0x6c: {  	[tilespmem:s20], [sflag:$0x1] =	stream.indirect_vreg.gather [hbm4b:s4+s2], $0x80, v4, vm0, $0xb8;
	[tilespmem:$0x18200] =	vst v63  }
0x6d: {  	_ = 	snop  }
0x6e: {  	[tilespmem:s21], [sflag:$0x1] =	stream.indirect_vreg.gather [hbm4b:s4+s2], $0x80, v3, vm0, $0xb8;
	[tilespmem:$0x18200] =	vst v63  }
0x6f: {  	v3 =	vld [tilespmem:$0x60];
	_ =	sdelay $0x4  }
0x70: {  	v38 =	vshll.u32 v3, $0x1  }
0x71: {  	v3 =	vand.u32 $0x7, v3;
	v4 =	vand.u32 $0xFFFFFFF0, v38  }
0x72: {  	v3 =	vor.u32 v3, v4  }
0x73: {  	v4 =	vperm.xlane v3, v0;
	_ =	sdelay $0x1  }
0x74: {  	v3 =	vperm.xlane v3, v2;
	v4 =	vadd.s32 v1, v4;
	_ =	sdelay $0x1  }
0x75: {  	v3 =	vadd.s32 v1, v3;
	_ =	sdelay $0x2  }
0x76: {  	[tilespmem:s22], [sflag:$0x1] =	stream.indirect_vreg.gather [hbm4b:s4+s2], $0x80, v4, vm0, $0xb8;
	[tilespmem:$0x18200] =	vst v63  }
0x77: {  	_ = 	snop  }
0x78: {  	[tilespmem:s23], [sflag:$0x1] =	stream.indirect_vreg.gather [hbm4b:s4+s2], $0x80, v3, vm0, $0xb8;
	[tilespmem:$0x18200] =	vst v63  }
0x79: {  	v3 =	vld [tilespmem:$0x70];
	_ =	sdelay $0x4  }
0x7a: {  	v39 =	vshll.u32 v3, $0x1  }
0x7b: {  	v3 =	vand.u32 $0x7, v3;
	v4 =	vand.u32 $0xFFFFFFF0, v39  }
0x7c: {  	v3 =	vor.u32 v3, v4  }
0x7d: {  	v4 =	vperm.xlane v3, v0;
	_ =	sdelay $0x1  }
0x7e: {  	v3 =	vperm.xlane v3, v2;
	v4 =	vadd.s32 v1, v4;
	_ =	sdelay $0x1  }
0x7f: {  	v3 =	vadd.s32 v1, v3;
	_ =	sdelay $0x2  }
0x80: {  	[tilespmem:s24], [sflag:$0x1] =	stream.indirect_vreg.gather [hbm4b:s4+s2], $0x80, v4, vm0, $0xb8;
	[tilespmem:$0x18200] =	vst v63  }
0x81: {  	_ = 	snop  }
0x82: {  	[tilespmem:s25], [sflag:$0x1] =	stream.indirect_vreg.gather [hbm4b:s4+s2], $0x80, v3, vm0, $0xb8;
	[tilespmem:$0x18200] =	vst v63  }
0x83: {  	v3 =	vld [tilespmem:$0x80];
	_ =	sdelay $0x4  }
0x84: {  	v40 =	vshll.u32 v3, $0x1  }
0x85: {  	v3 =	vand.u32 $0x7, v3;
	v4 =	vand.u32 $0xFFFFFFF0, v40  }
0x86: {  	v3 =	vor.u32 v3, v4  }
0x87: {  	v4 =	vperm.xlane v3, v0;
	_ =	sdelay $0x1  }
0x88: {  	v3 =	vperm.xlane v3, v2;
	v4 =	vadd.s32 v1, v4;
	_ =	sdelay $0x1  }
0x89: {  	v3 =	vadd.s32 v1, v3;
	_ =	sdelay $0x1  }
0x8a: {  	s29 =	rddreg [dreg:$0x8]  }
0x8b: {  	[tilespmem:s29], [sflag:$0x1] =	stream.indirect_vreg.gather [hbm4b:s4+s2], $0x80, v4, vm0, $0xb8;
	[tilespmem:$0x18200] =	vst v63  }
0x8c: {  	s28 =	rddreg [dreg:$0x9]  }
0x8d: {  	[tilespmem:s28], [sflag:$0x1] =	stream.indirect_vreg.gather [hbm4b:s4+s2], $0x80, v3, vm0, $0xb8;
	[tilespmem:$0x18200] =	vst v63  }
0x8e: {  	v3 =	vld [tilespmem:$0x90];
	_ =	sdelay $0x4  }
0x8f: {  	v41 =	vshll.u32 v3, $0x1  }
0x90: {  	v3 =	vand.u32 $0x7, v3;
	v4 =	vand.u32 $0xFFFFFFF0, v41  }
0x91: {  	v3 =	vor.u32 v3, v4  }
0x92: {  	v4 =	vperm.xlane v3, v0;
	_ =	sdelay $0x1  }
0x93: {  	v3 =	vperm.xlane v3, v2;
	v4 =	vadd.s32 v1, v4;
	_ =	sdelay $0x1  }
0x94: {  	v3 =	vadd.s32 v1, v3;
	_ =	sdelay $0x1  }
0x95: {  	s0 =	rddreg [dreg:$0xa]  }
0x96: {  	[tilespmem:s0], [sflag:$0x1] =	stream.indirect_vreg.gather [hbm4b:s4+s2], $0x80, v4, vm0, $0xb8;
	[tilespmem:$0x18200] =	vst v63  }
0x97: {  	s29 =	rddreg [dreg:$0xb]  }
0x98: {  	[tilespmem:s29], [sflag:$0x1] =	stream.indirect_vreg.gather [hbm4b:s4+s2], $0x80, v3, vm0, $0xb8;
	[tilespmem:$0x18200] =	vst v63  }
0x99: {  	v3 =	vld [tilespmem:$0xA0];
	_ =	sdelay $0x4  }
0x9a: {  	v42 =	vshll.u32 v3, $0x1  }
0x9b: {  	v3 =	vand.u32 $0x7, v3;
	v4 =	vand.u32 $0xFFFFFFF0, v42  }
0x9c: {  	v3 =	vor.u32 v3, v4  }
0x9d: {  	v4 =	vperm.xlane v3, v0;
	_ =	sdelay $0x1  }
0x9e: {  	v3 =	vperm.xlane v3, v2;
	v4 =	vadd.s32 v1, v4;
	_ =	sdelay $0x1  }
0x9f: {  	v3 =	vadd.s32 v1, v3;
	_ =	sdelay $0x1  }
0xa0: {  	s0 =	rddreg [dreg:$0xc]  }
0xa1: {  	[tilespmem:s0], [sflag:$0x1] =	stream.indirect_vreg.gather [hbm4b:s4+s2], $0x80, v4, vm0, $0xb8;
	[tilespmem:$0x18200] =	vst v63  }
0xa2: {  	s29 =	rddreg [dreg:$0xd]  }
0xa3: {  	[tilespmem:s29], [sflag:$0x1] =	stream.indirect_vreg.gather [hbm4b:s4+s2], $0x80, v3, vm0, $0xb8;
	[tilespmem:$0x18200] =	vst v63  }
0xa4: {  	v3 =	vld [tilespmem:$0xB0];
	_ =	sdelay $0x4  }
0xa5: {  	v43 =	vshll.u32 v3, $0x1  }
0xa6: {  	v3 =	vand.u32 $0x7, v3;
	v4 =	vand.u32 $0xFFFFFFF0, v43  }
0xa7: {  	v3 =	vor.u32 v3, v4  }
0xa8: {  	v4 =	vperm.xlane v3, v0;
	_ =	sdelay $0x1  }
0xa9: {  	v3 =	vperm.xlane v3, v2;
	v4 =	vadd.s32 v1, v4;
	_ =	sdelay $0x1  }
0xaa: {  	v3 =	vadd.s32 v1, v3;
	_ =	sdelay $0x1  }
0xab: {  	s0 =	rddreg [dreg:$0xe]  }
0xac: {  	[tilespmem:s0], [sflag:$0x1] =	stream.indirect_vreg.gather [hbm4b:s4+s2], $0x80, v4, vm0, $0xb8;
	[tilespmem:$0x18200] =	vst v63  }
0xad: {  	s29 =	rddreg [dreg:$0xf]  }
0xae: {  	[tilespmem:s29], [sflag:$0x1] =	stream.indirect_vreg.gather [hbm4b:s4+s2], $0x80, v3, vm0, $0xb8;
	[tilespmem:$0x18200] =	vst v63  }
0xaf: {  	v3 =	vld [tilespmem:$0xC0];
	_ =	sdelay $0x4  }
0xb0: {  	v44 =	vshll.u32 v3, $0x1  }
0xb1: {  	v3 =	vand.u32 $0x7, v3;
	v4 =	vand.u32 $0xFFFFFFF0, v44  }
0xb2: {  	v3 =	vor.u32 v3, v4  }
0xb3: {  	v4 =	vperm.xlane v3, v0;
	_ =	sdelay $0x1  }
0xb4: {  	v3 =	vperm.xlane v3, v2;
	v4 =	vadd.s32 v1, v4;
	_ =	sdelay $0x1  }
0xb5: {  	v3 =	vadd.s32 v1, v3;
	_ =	sdelay $0x1  }
0xb6: {  	s0 =	rddreg [dreg:$0x10]  }
0xb7: {  	[tilespmem:s0], [sflag:$0x1] =	stream.indirect_vreg.gather [hbm4b:s4+s2], $0x80, v4, vm0, $0xb8;
	[tilespmem:$0x18200] =	vst v63  }
0xb8: {  	s29 =	rddreg [dreg:$0x11]  }
0xb9: {  	[tilespmem:s29], [sflag:$0x1] =	stream.indirect_vreg.gather [hbm4b:s4+s2], $0x80, v3, vm0, $0xb8;
	[tilespmem:$0x18200] =	vst v63  }
0xba: {  	v3 =	vld [tilespmem:$0xD0];
	_ =	sdelay $0x4  }
0xbb: {  	v45 =	vshll.u32 v3, $0x1  }
0xbc: {  	v3 =	vand.u32 $0x7, v3;
	v4 =	vand.u32 $0xFFFFFFF0, v45  }
0xbd: {  	v3 =	vor.u32 v3, v4  }
0xbe: {  	v4 =	vperm.xlane v3, v0;
	_ =	sdelay $0x1  }
0xbf: {  	v3 =	vperm.xlane v3, v2;
	v4 =	vadd.s32 v1, v4;
	_ =	sdelay $0x1  }
0xc0: {  	v3 =	vadd.s32 v1, v3;
	_ =	sdelay $0x1  }
0xc1: {  	s0 =	rddreg [dreg:$0x12]  }
0xc2: {  	[tilespmem:s0], [sflag:$0x1] =	stream.indirect_vreg.gather [hbm4b:s4+s2], $0x80, v4, vm0, $0xb8;
	[tilespmem:$0x18200] =	vst v63  }
0xc3: {  	s29 =	rddreg [dreg:$0x13]  }
0xc4: {  	[tilespmem:s29], [sflag:$0x1] =	stream.indirect_vreg.gather [hbm4b:s4+s2], $0x80, v3, vm0, $0xb8;
	[tilespmem:$0x18200] =	vst v63  }
0xc5: {  	v3 =	vld [tilespmem:$0xE0];
	_ =	sdelay $0x4  }
0xc6: {  	v46 =	vshll.u32 v3, $0x1  }
0xc7: {  	v3 =	vand.u32 $0x7, v3;
	v4 =	vand.u32 $0xFFFFFFF0, v46  }
0xc8: {  	v3 =	vor.u32 v3, v4  }
0xc9: {  	v4 =	vperm.xlane v3, v0;
	_ =	sdelay $0x1  }
0xca: {  	v3 =	vperm.xlane v3, v2;
	v4 =	vadd.s32 v1, v4;
	_ =	sdelay $0x1  }
0xcb: {  	v3 =	vadd.s32 v1, v3;
	_ =	sdelay $0x1  }
0xcc: {  	s0 =	rddreg [dreg:$0x14]  }
0xcd: {  	[tilespmem:s0], [sflag:$0x1] =	stream.indirect_vreg.gather [hbm4b:s4+s2], $0x80, v4, vm0, $0xb8;
	[tilespmem:$0x18200] =	vst v63  }
0xce: {  	s29 =	rddreg [dreg:$0x15]  }
0xcf: {  	[tilespmem:s29], [sflag:$0x1] =	stream.indirect_vreg.gather [hbm4b:s4+s2], $0x80, v3, vm0, $0xb8;
	[tilespmem:$0x18200] =	vst v63  }
0xd0: {  	v3 =	vld [tilespmem:$0xF0];
	_ =	sdelay $0x4  }
0xd1: {  	v47 =	vshll.u32 v3, $0x1  }
0xd2: {  	v3 =	vand.u32 $0x7, v3;
	v4 =	vand.u32 $0xFFFFFFF0, v47  }
0xd3: {  	v3 =	vor.u32 v3, v4  }
0xd4: {  	v4 =	vperm.xlane v3, v0;
	_ =	sdelay $0x1  }
0xd5: {  	v3 =	vperm.xlane v3, v2;
	v4 =	vadd.s32 v1, v4;
	_ =	sdelay $0x1  }
0xd6: {  	v3 =	vadd.s32 v1, v3  }
0xd7: {  	s28 =	rddreg [dreg:$0x5]  }
0xd8: {  	s29 =	rddreg [dreg:$0x16]  }
0xd9: {  	[tilespmem:s29], [sflag:$0x1] =	stream.indirect_vreg.gather [hbm4b:s4+s2], $0x80, v4, vm0, $0xb8;
	[tilespmem:$0x18200] =	vst v63  }
0xda: {  	s0 =	rddreg [dreg:$0x17]  }
0xdb: {  	[tilespmem:s0], [sflag:$0x1] =	stream.indirect_vreg.gather [hbm4b:s4+s2], $0x80, v3, vm0, $0xb8;
	[tilespmem:$0x18200] =	vst v63  }
0xdc: {  	s29 =	rddreg [dreg:$0x18]  }
0xdd: {  	[tilespmem:s29], [sflag:$0x3] =	stream.strided.gather [hbm4b:s28+s7], $0x100, s8, s7, $0x38;
	[tilespmem:$0x18200] =	vst v63  }
0xde: {  	_ =	swait.ge [sflag:s9], $0x100  }
0xdf: {  	[sflag:s9] =	ssyncset.done $0x0  }
0xe0: {  	[sflag:s9] =	ssyncadd.s32 $0xFFFFFF00  }
0xe1: {  	v3 =	vld [tilespmem:$0x100];
	_ =	sdelay $0x4  }
0xe2: {  	v48 =	vshll.u32 v3, $0x1  }
0xe3: {  	v3 =	vand.u32 $0x7, v3;
	v4 =	vand.u32 $0xFFFFFFF0, v48  }
0xe4: {  	v3 =	vor.u32 v3, v4  }
0xe5: {  	v4 =	vperm.xlane v3, v0;
	_ =	sdelay $0x1  }
0xe6: {  	v3 =	vperm.xlane v3, v2;
	v4 =	vadd.s32 v1, v4;
	_ =	sdelay $0x1  }
0xe7: {  	v3 =	vadd.s32 v1, v3;
	_ =	sdelay $0x2  }
0xe8: {  	[tilespmem:s26], [sflag:$0x1] =	stream.indirect_vreg.gather [hbm4b:s4+s2], $0x80, v4, vm0, $0xb8;
	[tilespmem:$0x18200] =	vst v63  }
0xe9: {  	s28 =	rddreg [dreg:$0x19]  }
0xea: {  	[tilespmem:s28], [sflag:$0x1] =	stream.indirect_vreg.gather [hbm4b:s4+s2], $0x80, v3, vm0, $0xb8;
	[tilespmem:$0x18200] =	vst v63  }
0xeb: {  	v3 =	vld [tilespmem:$0x110];
	_ =	sdelay $0x4  }
0xec: {  	v49 =	vshll.u32 v3, $0x1  }
0xed: {  	v3 =	vand.u32 $0x7, v3;
	v4 =	vand.u32 $0xFFFFFFF0, v49  }
0xee: {  	v3 =	vor.u32 v3, v4  }
0xef: {  	v4 =	vperm.xlane v3, v0;
	_ =	sdelay $0x1  }
0xf0: {  	v3 =	vperm.xlane v3, v2;
	v4 =	vadd.s32 v1, v4;
	_ =	sdelay $0x1  }
0xf1: {  	v3 =	vadd.s32 v1, v3;
	_ =	sdelay $0x1  }
0xf2: {  	s0 =	rddreg [dreg:$0x1a]  }
0xf3: {  	[tilespmem:s0], [sflag:$0x1] =	stream.indirect_vreg.gather [hbm4b:s4+s2], $0x80, v4, vm0, $0xb8;
	[tilespmem:$0x18200] =	vst v63  }
0xf4: {  	s29 =	rddreg [dreg:$0x1b]  }
0xf5: {  	[tilespmem:s29], [sflag:$0x1] =	stream.indirect_vreg.gather [hbm4b:s4+s2], $0x80, v3, vm0, $0xb8;
	[tilespmem:$0x18200] =	vst v63  }
0xf6: {  	v3 =	vld [tilespmem:$0x120];
	_ =	sdelay $0x4  }
0xf7: {  	v50 =	vshll.u32 v3, $0x1  }
0xf8: {  	v3 =	vand.u32 $0x7, v3;
	v4 =	vand.u32 $0xFFFFFFF0, v50  }
0xf9: {  	v3 =	vor.u32 v3, v4  }
0xfa: {  	v4 =	vperm.xlane v3, v0;
	_ =	sdelay $0x1  }
0xfb: {  	v3 =	vperm.xlane v3, v2;
	v4 =	vadd.s32 v1, v4;
	_ =	sdelay $0x1  }
0xfc: {  	v3 =	vadd.s32 v1, v3;
	_ =	sdelay $0x1  }
0xfd: {  	s0 =	rddreg [dreg:$0x1c]  }
0xfe: {  	[tilespmem:s0], [sflag:$0x1] =	stream.indirect_vreg.gather [hbm4b:s4+s2], $0x80, v4, vm0, $0xb8;
	[tilespmem:$0x18200] =	vst v63  }
0xff: {  	s29 =	rddreg [dreg:$0x1d]  }
0x100: {  	[tilespmem:s29], [sflag:$0x1] =	stream.indirect_vreg.gather [hbm4b:s4+s2], $0x80, v3, vm0, $0xb8;
	[tilespmem:$0x18200] =	vst v63  }
0x101: {  	v3 =	vld [tilespmem:$0x130];
	_ =	sdelay $0x4  }
0x102: {  	v51 =	vshll.u32 v3, $0x1  }
0x103: {  	v3 =	vand.u32 $0x7, v3;
	v4 =	vand.u32 $0xFFFFFFF0, v51  }
0x104: {  	v3 =	vor.u32 v3, v4  }
0x105: {  	v4 =	vperm.xlane v3, v0;
	_ =	sdelay $0x1  }
0x106: {  	v3 =	vperm.xlane v3, v2;
	v4 =	vadd.s32 v1, v4;
	_ =	sdelay $0x1  }
0x107: {  	v3 =	vadd.s32 v1, v3;
	_ =	sdelay $0x1  }
0x108: {  	s0 =	rddreg [dreg:$0x1e]  }
0x109: {  	[tilespmem:s0], [sflag:$0x1] =	stream.indirect_vreg.gather [hbm4b:s4+s2], $0x80, v4, vm0, $0xb8;
	[tilespmem:$0x18200] =	vst v63  }
0x10a: {  	s29 =	rddreg [dreg:$0x1f]  }
0x10b: {  	[tilespmem:s29], [sflag:$0x1] =	stream.indirect_vreg.gather [hbm4b:s4+s2], $0x80, v3, vm0, $0xb8;
	[tilespmem:$0x18200] =	vst v63  }
0x10c: {  	v3 =	vld [tilespmem:$0x140];
	_ =	sdelay $0x4  }
0x10d: {  	v52 =	vshll.u32 v3, $0x1  }
0x10e: {  	v3 =	vand.u32 $0x7, v3;
	v4 =	vand.u32 $0xFFFFFFF0, v52  }
0x10f: {  	v3 =	vor.u32 v3, v4  }
0x110: {  	v4 =	vperm.xlane v3, v0;
	_ =	sdelay $0x1  }
0x111: {  	v3 =	vperm.xlane v3, v2;
	v4 =	vadd.s32 v1, v4;
	_ =	sdelay $0x1  }
0x112: {  	s0 =	sld [smem:$0x7FA];
	v3 =	vadd.s32 v1, v3;
	_ =	sdelay $0x1  }
0x113: {  	s29 =	sld [smem:$0x7FB]  }
0x114: {  	[tilespmem:s0], [sflag:$0x1] =	stream.indirect_vreg.gather [hbm4b:s4+s2], $0x80, v4, vm0, $0xb8;
	[tilespmem:$0x18200] =	vst v63  }
0x115: {  	_ = 	snop  }
0x116: {  	[tilespmem:s29], [sflag:$0x1] =	stream.indirect_vreg.gather [hbm4b:s4+s2], $0x80, v3, vm0, $0xb8;
	[tilespmem:$0x18200] =	vst v63  }
0x117: {  	v3 =	vld [tilespmem:$0x150];
	_ =	sdelay $0x4  }
0x118: {  	v53 =	vshll.u32 v3, $0x1  }
0x119: {  	v3 =	vand.u32 $0x7, v3;
	v4 =	vand.u32 $0xFFFFFFF0, v53  }
0x11a: {  	v3 =	vor.u32 v3, v4  }
0x11b: {  	v4 =	vperm.xlane v3, v0;
	_ =	sdelay $0x1  }
0x11c: {  	v3 =	vperm.xlane v3, v2;
	v4 =	vadd.s32 v1, v4;
	_ =	sdelay $0x1  }
0x11d: {  	s0 =	sld [smem:$0x7FC];
	v3 =	vadd.s32 v1, v3;
	_ =	sdelay $0x1  }
0x11e: {  	s29 =	sld [smem:$0x7FD]  }
0x11f: {  	[tilespmem:s0], [sflag:$0x1] =	stream.indirect_vreg.gather [hbm4b:s4+s2], $0x80, v4, vm0, $0xb8;
	[tilespmem:$0x18200] =	vst v63  }
0x120: {  	_ = 	snop  }
0x121: {  	[tilespmem:s29], [sflag:$0x1] =	stream.indirect_vreg.gather [hbm4b:s4+s2], $0x80, v3, vm0, $0xb8;
	[tilespmem:$0x18200] =	vst v63  }
0x122: {  	v3 =	vld [tilespmem:$0x160];
	_ =	sdelay $0x4  }
0x123: {  	v54 =	vshll.u32 v3, $0x1  }
0x124: {  	v3 =	vand.u32 $0x7, v3;
	v4 =	vand.u32 $0xFFFFFFF0, v54  }
0x125: {  	v3 =	vor.u32 v3, v4  }
0x126: {  	v4 =	vperm.xlane v3, v0;
	_ =	sdelay $0x1  }
0x127: {  	v3 =	vperm.xlane v3, v2;
	v4 =	vadd.s32 v1, v4;
	_ =	sdelay $0x1  }
0x128: {  	v3 =	vadd.s32 v1, v3;
	_ =	sdelay $0x1  }
0x129: {  	s28 =	simm.s32 $0x16200  }
0x12a: {  	[tilespmem:s28], [sflag:$0x1] =	stream.indirect_vreg.gather [hbm4b:s4+s2], $0x80, v4, vm0, $0xb8;
	[tilespmem:$0x18200] =	vst v63  }
0x12b: {  	s29 =	simm.s32 $0x16A00  }
0x12c: {  	[tilespmem:s29], [sflag:$0x1] =	stream.indirect_vreg.gather [hbm4b:s4+s2], $0x80, v3, vm0, $0xb8;
	[tilespmem:$0x18200] =	vst v63  }
0x12d: {  	v3 =	vld [tilespmem:$0x170];
	_ =	sdelay $0x4  }
0x12e: {  	v55 =	vshll.u32 v3, $0x1  }
0x12f: {  	v3 =	vand.u32 $0x7, v3;
	v4 =	vand.u32 $0xFFFFFFF0, v55  }
0x130: {  	v3 =	vor.u32 v3, v4  }
0x131: {  	v4 =	vperm.xlane v3, v0;
	_ =	sdelay $0x1  }
0x132: {  	v3 =	vperm.xlane v3, v2;
	v4 =	vadd.s32 v1, v4;
	_ =	sdelay $0x1  }
0x133: {  	v3 =	vadd.s32 v1, v3;
	_ =	sdelay $0x2  }
0x134: {  	[tilespmem:s30], [sflag:$0x1] =	stream.indirect_vreg.gather [hbm4b:s4+s2], $0x80, v4, vm0, $0xb8;
	[tilespmem:$0x18200] =	vst v63  }
0x135: {  	_ = 	snop  }
0x136: {  	[tilespmem:s31], [sflag:$0x1] =	stream.indirect_vreg.gather [hbm4b:s4+s2], $0x80, v3, vm0, $0xb8;
	[tilespmem:$0x18200] =	vst v63  }
0x137: {  	_ =	swait.ge [sflag:s5], $0x8000  }
0x138: {  	[sflag:s5] =	ssyncset.done $0x0  }
0x139: {  	[sflag:s5] =	ssyncadd.s32 $0xFFFF8000  }
0x13a: {  	_ =	swait.ge [sflag:s5], $0x8000  }
0x13b: {  	[sflag:s5] =	ssyncset.done $0x0  }
0x13c: {  	[sflag:s5] =	ssyncadd.s32 $0xFFFF8000  }
0x13d: {  	[hbm4b:s3+s2] =	stream.linear.scatter [tilespmem:s10], [sflag:$0x2], $0x10000, $0x38;
	[tilespmem:$0x18200] =	vst v63  }
0x13e: {  	_ =	swait.ge [sflag:s1], $0x10000  }
0x13f: {  	[sflag:s1] =	ssyncset.done $0x0  }
0x140: {  	[sflag:s1] =	ssyncadd.s32 $0xFFFF0000  }
0x141: {  	v3 =	vld [tilespmem:$0x180];
	_ =	sdelay $0x4  }
0x142: {  	v56 =	vshll.u32 v3, $0x1  }
0x143: {  	v3 =	vand.u32 $0x7, v3;
	v4 =	vand.u32 $0xFFFFFFF0, v56  }
0x144: {  	v3 =	vor.u32 v3, v4  }
0x145: {  	v4 =	vperm.xlane v3, v0;
	_ =	sdelay $0x1  }
0x146: {  	v3 =	vperm.xlane v3, v2;
	v4 =	vadd.s32 v1, v4;
	_ =	sdelay $0x1  }
0x147: {  	v3 =	vadd.s32 v1, v3;
	_ =	sdelay $0x2  }
0x148: {  	[tilespmem:s10], [sflag:$0x1] =	stream.indirect_vreg.gather [hbm4b:s4+s2], $0x80, v4, vm0, $0xb8;
	[tilespmem:$0x18200] =	vst v63  }
0x149: {  	_ = 	snop  }
0x14a: {  	[tilespmem:s11], [sflag:$0x1] =	stream.indirect_vreg.gather [hbm4b:s4+s2], $0x80, v3, vm0, $0xb8;
	[tilespmem:$0x18200] =	vst v63  }
0x14b: {  	v3 =	vld [tilespmem:$0x190];
	_ =	sdelay $0x4  }
0x14c: {  	v57 =	vshll.u32 v3, $0x1  }
0x14d: {  	v3 =	vand.u32 $0x7, v3;
	v4 =	vand.u32 $0xFFFFFFF0, v57  }
0x14e: {  	v3 =	vor.u32 v3, v4  }
0x14f: {  	v4 =	vperm.xlane v3, v0;
	_ =	sdelay $0x1  }
0x150: {  	v3 =	vperm.xlane v3, v2;
	v4 =	vadd.s32 v1, v4;
	_ =	sdelay $0x1  }
0x151: {  	v3 =	vadd.s32 v1, v3;
	_ =	sdelay $0x2  }
0x152: {  	[tilespmem:s12], [sflag:$0x1] =	stream.indirect_vreg.gather [hbm4b:s4+s2], $0x80, v4, vm0, $0xb8;
	[tilespmem:$0x18200] =	vst v63  }
0x153: {  	_ = 	snop  }
0x154: {  	[tilespmem:s13], [sflag:$0x1] =	stream.indirect_vreg.gather [hbm4b:s4+s2], $0x80, v3, vm0, $0xb8;
	[tilespmem:$0x18200] =	vst v63  }
0x155: {  	v3 =	vld [tilespmem:$0x1A0];
	_ =	sdelay $0x4  }
0x156: {  	v58 =	vshll.u32 v3, $0x1  }
0x157: {  	v3 =	vand.u32 $0x7, v3;
	v4 =	vand.u32 $0xFFFFFFF0, v58  }
0x158: {  	v3 =	vor.u32 v3, v4  }
0x159: {  	v4 =	vperm.xlane v3, v0;
	_ =	sdelay $0x1  }
0x15a: {  	v3 =	vperm.xlane v3, v2;
	v4 =	vadd.s32 v1, v4;
	_ =	sdelay $0x1  }
0x15b: {  	v3 =	vadd.s32 v1, v3;
	_ =	sdelay $0x2  }
0x15c: {  	[tilespmem:s14], [sflag:$0x1] =	stream.indirect_vreg.gather [hbm4b:s4+s2], $0x80, v4, vm0, $0xb8;
	[tilespmem:$0x18200] =	vst v63  }
0x15d: {  	_ = 	snop  }
0x15e: {  	[tilespmem:s15], [sflag:$0x1] =	stream.indirect_vreg.gather [hbm4b:s4+s2], $0x80, v3, vm0, $0xb8;
	[tilespmem:$0x18200] =	vst v63  }
0x15f: {  	v3 =	vld [tilespmem:$0x1B0];
	_ =	sdelay $0x4  }
0x160: {  	v59 =	vshll.u32 v3, $0x1  }
0x161: {  	v3 =	vand.u32 $0x7, v3;
	v4 =	vand.u32 $0xFFFFFFF0, v59  }
0x162: {  	v3 =	vor.u32 v3, v4  }
0x163: {  	v4 =	vperm.xlane v3, v0;
	_ =	sdelay $0x1  }
0x164: {  	v3 =	vperm.xlane v3, v2;
	v4 =	vadd.s32 v1, v4;
	_ =	sdelay $0x1  }
0x165: {  	v3 =	vadd.s32 v1, v3;
	_ =	sdelay $0x2  }
0x166: {  	[tilespmem:s16], [sflag:$0x1] =	stream.indirect_vreg.gather [hbm4b:s4+s2], $0x80, v4, vm0, $0xb8;
	[tilespmem:$0x18200] =	vst v63  }
0x167: {  	_ = 	snop  }
0x168: {  	[tilespmem:s17], [sflag:$0x1] =	stream.indirect_vreg.gather [hbm4b:s4+s2], $0x80, v3, vm0, $0xb8;
	[tilespmem:$0x18200] =	vst v63  }
0x169: {  	v3 =	vld [tilespmem:$0x1C0];
	_ =	sdelay $0x4  }
0x16a: {  	v60 =	vshll.u32 v3, $0x1  }
0x16b: {  	v3 =	vand.u32 $0x7, v3;
	v4 =	vand.u32 $0xFFFFFFF0, v60  }
0x16c: {  	v3 =	vor.u32 v3, v4  }
0x16d: {  	v4 =	vperm.xlane v3, v0;
	_ =	sdelay $0x1  }
0x16e: {  	v3 =	vperm.xlane v3, v2;
	v4 =	vadd.s32 v1, v4;
	_ =	sdelay $0x1  }
0x16f: {  	v3 =	vadd.s32 v1, v3;
	_ =	sdelay $0x2  }
0x170: {  	[tilespmem:s18], [sflag:$0x1] =	stream.indirect_vreg.gather [hbm4b:s4+s2], $0x80, v4, vm0, $0xb8;
	[tilespmem:$0x18200] =	vst v63  }
0x171: {  	_ = 	snop  }
0x172: {  	[tilespmem:s19], [sflag:$0x1] =	stream.indirect_vreg.gather [hbm4b:s4+s2], $0x80, v3, vm0, $0xb8;
	[tilespmem:$0x18200] =	vst v63  }
0x173: {  	v3 =	vld [tilespmem:$0x1D0];
	_ =	sdelay $0x4  }
0x174: {  	v61 =	vshll.u32 v3, $0x1  }
0x175: {  	v3 =	vand.u32 $0x7, v3;
	v4 =	vand.u32 $0xFFFFFFF0, v61  }
0x176: {  	v3 =	vor.u32 v3, v4  }
0x177: {  	v4 =	vperm.xlane v3, v0;
	_ =	sdelay $0x1  }
0x178: {  	v3 =	vperm.xlane v3, v2;
	v4 =	vadd.s32 v1, v4;
	_ =	sdelay $0x1  }
0x179: {  	v3 =	vadd.s32 v1, v3;
	_ =	sdelay $0x2  }
0x17a: {  	[tilespmem:s20], [sflag:$0x1] =	stream.indirect_vreg.gather [hbm4b:s4+s2], $0x80, v4, vm0, $0xb8;
	[tilespmem:$0x18200] =	vst v63  }
0x17b: {  	_ = 	snop  }
0x17c: {  	[tilespmem:s21], [sflag:$0x1] =	stream.indirect_vreg.gather [hbm4b:s4+s2], $0x80, v3, vm0, $0xb8;
	[tilespmem:$0x18200] =	vst v63  }
0x17d: {  	v3 =	vld [tilespmem:$0x1E0];
	_ =	sdelay $0x4  }
0x17e: {  	v62 =	vshll.u32 v3, $0x1  }
0x17f: {  	v3 =	vand.u32 $0x7, v3;
	v4 =	vand.u32 $0xFFFFFFF0, v62  }
0x180: {  	v3 =	vor.u32 v3, v4  }
0x181: {  	v4 =	vperm.xlane v3, v0;
	_ =	sdelay $0x1  }
0x182: {  	v3 =	vperm.xlane v3, v2;
	v4 =	vadd.s32 v1, v4;
	_ =	sdelay $0x1  }
0x183: {  	v3 =	vadd.s32 v1, v3;
	_ =	sdelay $0x2  }
0x184: {  	[tilespmem:s22], [sflag:$0x1] =	stream.indirect_vreg.gather [hbm4b:s4+s2], $0x80, v4, vm0, $0xb8;
	[tilespmem:$0x18200] =	vst v63  }
0x185: {  	_ = 	snop  }
0x186: {  	[tilespmem:s23], [sflag:$0x1] =	stream.indirect_vreg.gather [hbm4b:s4+s2], $0x80, v3, vm0, $0xb8;
	[tilespmem:$0x18200] =	vst v63  }
0x187: {  	v3 =	vld [tilespmem:$0x1F0];
	_ =	sdelay $0x4  }
0x188: {  	v63 =	vshll.u32 v3, $0x1  }
0x189: {  	v3 =	vand.u32 $0x7, v3;
	v4 =	vand.u32 $0xFFFFFFF0, v63  }
0x18a: {  	v3 =	vor.u32 v3, v4  }
0x18b: {  	v4 =	vperm.xlane v3, v0;
	_ =	sdelay $0x1  }
0x18c: {  	v3 =	vperm.xlane v3, v2;
	v4 =	vadd.s32 v1, v4;
	_ =	sdelay $0x1  }
0x18d: {  	v3 =	vadd.s32 v1, v3;
	_ =	sdelay $0x2  }
0x18e: {  	[tilespmem:s24], [sflag:$0x1] =	stream.indirect_vreg.gather [hbm4b:s4+s2], $0x80, v4, vm0, $0xb8;
	[tilespmem:$0x18200] =	vst v63  }
0x18f: {  	_ = 	snop  }
0x190: {  	[tilespmem:s25], [sflag:$0x1] =	stream.indirect_vreg.gather [hbm4b:s4+s2], $0x80, v3, vm0, $0xb8;
	[tilespmem:$0x18200] =	vst v63  }
0x191: {  	_ =	swait.ge [sflag:s5], $0x8000  }
0x192: {  	[sflag:s5] =	ssyncset.done $0x0  }
0x193: {  	s28 =	rddreg [dreg:$0x6];
	[sflag:s5] =	ssyncadd.s32 $0xFFFF8000  }
0x194: {  	[hbm4b:s28+s2] =	stream.linear.scatter [tilespmem:s26], [sflag:$0x2], $0x8000, $0x38;
	[tilespmem:$0x18200] =	vst v63  }
0x195: {  	_ =	swait.ge [sflag:s5], $0x8000  }
0x196: {  	[sflag:s5] =	ssyncset.done $0x0  }
0x197: {  	s29 =	rddreg [dreg:$0x7];
	[sflag:s5] =	ssyncadd.s32 $0xFFFF8000  }
0x198: {  	[hbm4b:s29+s2] =	stream.linear.scatter [tilespmem:s10], [sflag:$0x2], $0x8000, $0x38;
	[tilespmem:$0x18200] =	vst v63  }
0x199: {  	p0 =	sne.s32 s6, $0x1;
	_ =	swait.ge [sflag:s1], $0x8000  }
.Ltmp0:
0x19a: {  	[sflag:s1] =	ssyncset.done $0x0;
	(pc) =	sbr.rel @p0 .LBB2_1-.Ltmp0, $4  }
0x19b: {  	[sflag:s1] =	ssyncadd.s32 $0xFFFF8000  }
0x19c: {  	_ =	swait.ge [sflag:s1], $0x8000  }
0x19d: {  	[sflag:s1] =	ssyncset.done $0x0  }
0x19e: {  	s6 =	sadd.s32 $0xFFFFFFFF, s6;
	[sflag:s1] =	ssyncadd.s32 $0xFFFF8000  }
0x19f: {  	_ =	sfence.sel $0x180000  }
0x1a0: {  	[bflag:$0x0] =	sbarrier.arrive $0xFFFF  }
0x1a1: {  	_ =	strace $0x90000047  }
0x1a2: {  	s0 =	stileid.u32;
	[bflag:$0x2] =	sbarrier.arrive $0xFFFF  }
0x1a3: {  	p0 =	sne.s32 s0, $0x0;
	s0 =	rddreg [dreg:$0x3]  }
0x1a4: {  	s0 =	sadd.s32 @!p0 $0x100000, s0  }
0x1a5: {  	[sflag:s0] =	ssyncadd.tile.s32 @!p0 $0x1;
	_ =	shalt  }
.Lfunc_end2:
_tile_overlayer_lowered:
.L_overlay_start_2:
0x1a6: {  	(tag) =	ssettag $0x2  }
0x1a7: {  	s0 =	rddreg [dreg:$0x0];
	s2 =	stileid.u32  }
0x1a8: {  	s1 =	rddreg [dreg:$0x1];
	p0 =	sne.s32 s2, $0x0  }
0x1a9: {  	s3 =	rddreg [dreg:$0x2];
	[bflag:$0x3] =	sbarrier.arrive $0xFFFF;
	s2 =	simm.s32 @!p0 $0x1C03  }
0x1aa: {  	[timem:s3], [sflag:s2] =	dma.local @!p0 [hbm:s0], s1  }
0x1ab: {  	s0 =	simm.s32 @!p0 $0x3  }
0x1ac: {  	_ =	swait.ge @!p0 [sflag:s0], s1  }
0x1ad: {  	s1 =	ssub.s32 @!p0 $0x0, s1;
	[sflag:s0] =	ssyncset.done @!p0 $0x0  }
0x1ae: {  	[sflag:s0] =	ssyncadd.s32 @!p0 s1  }
0x1af: {  	[bflag:$0x3] =	sbarrier.arrive $0xFFFF  }
0x1b0: {  	_ =	shalt  }

</sc_bundles>
